<compile_context>
chip_gen: v7x
topology: tpu7x:2x2x1
jax: 0.10.2.dev20260603
libtpu: 0.0.44.dev20260713+nightly
codegen_flags: <defaults>
</compile_context>

<pallas_src>
import jax
import jax.numpy as jnp
from jax import lax
from jax.experimental import pallas as pl
from jax.experimental.pallas import tpu as pltpu
from jax.experimental.pallas import tpu_sc as plsc

VOCAB = 1000000
EMBED = 64
BATCH = 4096
HIST = 200
CHUNK = 100
NC, NS = 2, 16
NW = NC * NS
ROWS_W = BATCH // NW
NCH_W = ROWS_W * (HIST // CHUNK)
XP_W = 8192
NBLK = 62
HALF = NBLK * XP_W
NCOLB = (VOCAB + XP_W - 1) // XP_W - 1


def _xpose_body(a_ref, b_ref, o_ref):
    o_ref[...] = jnp.concatenate([a_ref[...].T, b_ref[...].T], axis=1)

    @pl.when(pl.program_id(0) == 0)
    def _():
        o_ref[0:1, 0:EMBED] = jnp.zeros((1, EMBED), jnp.float32)


def _row_table(table):
    tt = table.T
    return pl.pallas_call(
        _xpose_body,
        grid=(NBLK,),
        in_specs=[
            pl.BlockSpec((EMBED, XP_W), lambda i: (0, i)),
            pl.BlockSpec((EMBED, XP_W),
                         lambda i: (0, jnp.minimum(i + NBLK, NCOLB))),
        ],
        out_specs=pl.BlockSpec((XP_W, 128), lambda i: (i, 0)),
        out_shape=jax.ShapeDtypeStruct((HALF, 128), jnp.float32),
    )(tt, tt)


def _remap_body(x_ref, o_ref):
    t = x_ref[...]
    o_ref[...] = 2 * t - jnp.where(t >= HALF, 2 * HALF - 1, 0)


def _remap(x2):
    return pl.pallas_call(
        _remap_body,
        grid=(8,),
        in_specs=[pl.BlockSpec((1024, CHUNK), lambda i: (i, 0))],
        out_specs=pl.BlockSpec((1024, CHUNK), lambda i: (i, 0)),
        out_shape=jax.ShapeDtypeStruct((BATCH * 2, CHUNK), jnp.int32),
    )(x2)


NBUF = 4


def _sc_body(x_hbm, tab_hbm, out_hbm, idx_v, buf, out_v,
             sem0, sem1, sem2, sem3):
    wid = lax.axis_index("s") * NC + lax.axis_index("c")
    pltpu.sync_copy(x_hbm.at[pl.ds(wid * NCH_W, NCH_W)], idx_v)

    def fire(row, slot, sem):
        pltpu.async_copy(tab_hbm.at[idx_v.at[2 * row]],
                         buf.at[slot, pl.ds(0, CHUNK)], sem)
        pltpu.async_copy(tab_hbm.at[idx_v.at[2 * row + 1]],
                         buf.at[slot, pl.ds(CHUNK, CHUNK)], sem)

    def wait(slot, sem):
        pltpu.make_async_copy(tab_hbm.at[idx_v.at[0]],
                              buf.at[slot, pl.ds(0, CHUNK)], sem).wait()
        pltpu.make_async_copy(tab_hbm.at[idx_v.at[0]],
                              buf.at[slot, pl.ds(CHUNK, CHUNK)], sem).wait()

    sems = (sem0, sem1, sem2, sem3)
    for k in range(NBUF):
        fire(k, k, sems[k])

    def consume(row, k, sem):
        wait(k, sem)

        def racc(r, accs):
            return tuple(
                accs[g] + buf[k, r, pl.ds(g * 16, 16)] for g in range(4)
            )

        z = jnp.zeros((16,), jnp.float32)
        accs = lax.fori_loop(0, HIST, racc, (z, z, z, z), unroll=8)
        for g in range(4):
            out_v[row, pl.ds(g * 16, 16)] = accs[g]

        @pl.when(row + NBUF < ROWS_W)
        def _():
            fire(row + NBUF, k, sem)

    def body(bn, carry):
        for k in range(NBUF):
            consume(NBUF * bn + k, k, sems[k])
        return carry

    nfull = ROWS_W // NBUF
    lax.fori_loop(0, nfull, body, 0)
    for k in range(ROWS_W - NBUF * nfull):
        consume(NBUF * nfull + k, k, sems[k])
    pltpu.sync_copy(out_v, out_hbm.at[pl.ds(wid * ROWS_W, ROWS_W)])


def _pooled_sums(x2, row_tab):
    mesh = plsc.VectorSubcoreMesh(core_axis_name="c", subcore_axis_name="s")
    f = pl.kernel(
        _sc_body,
        out_type=jax.ShapeDtypeStruct((BATCH, EMBED), jnp.float32),
        mesh=mesh,
        scratch_types=[
            pltpu.VMEM((NCH_W, CHUNK), jnp.int32),
            pltpu.VMEM((NBUF, HIST, EMBED), jnp.float32),
            pltpu.VMEM((ROWS_W, EMBED), jnp.float32),
            pltpu.SemaphoreType.DMA,
            pltpu.SemaphoreType.DMA,
            pltpu.SemaphoreType.DMA,
            pltpu.SemaphoreType.DMA,
        ],
        compiler_params=pltpu.CompilerParams(use_tc_tiling_on_sc=False),
    )
    return f(x2, row_tab.reshape(2 * HALF, EMBED))


def _mlp_body(s_ref, w1_ref, b1_ref, w2_ref, b2_ref, o_ref):
    h = lax.dot_general(s_ref[...], w1_ref[...], (((1,), (1,)), ((), ())),
                        preferred_element_type=jnp.float32)
    h = jnp.maximum(h + b1_ref[...], 0.0)
    o_ref[...] = jnp.sum(h * w2_ref[...], axis=1, keepdims=True) + b2_ref[...]


def _mlp(s, W1, b1, W2, b2):
    return pl.pallas_call(
        _mlp_body,
        grid=(1,),
        in_specs=[
            pl.BlockSpec((BATCH, EMBED), lambda i: (0, 0)),
            pl.BlockSpec((128, EMBED), lambda i: (0, 0)),
            pl.BlockSpec((1, 128), lambda i: (0, 0)),
            pl.BlockSpec((1, 128), lambda i: (0, 0)),
            pl.BlockSpec((1, 1), lambda i: (0, 0)),
        ],
        out_specs=pl.BlockSpec((BATCH, 1), lambda i: (0, 0)),
        out_shape=jax.ShapeDtypeStruct((BATCH, 1), jnp.float32),
    )(s, W1, b1, W2, b2)


@jax.jit
def kernel(x, table, W1, b1, W2, b2):
    row_tab = _row_table(table)
    x2 = _remap(x.reshape(BATCH * 2, CHUNK))
    s = _pooled_sums(x2, row_tab)
    return _mlp(s, W1, b1.reshape(1, 128), W2, b2.reshape(1, 1))

# --- scband reference (transcript-rebuilt; emitter-appended) ---
"""Pipeline reference for scband-imdb-model-65670049956106 (READ-ONLY COPY).

The authoritative reference and input builder live on the scoring server;
editing this copy changes nothing except your own understanding.
"""

import jax, jax.numpy as jnp
import numpy as np

VOCAB = 1000000
EMBED_DIM = 64
BATCH = 4096
HIST = 200

def setup_inputs(seed: int = 0) -> dict:
    key = jax.random.key(seed)
    k_idx, k_tab, k_w1, k_b1, k_w2, k_b2 = jax.random.split(key, 6)
    x = jax.random.randint(k_idx, (BATCH, HIST), 0, VOCAB, dtype=jnp.int64 if jax.config.jax_enable_x64 else jnp.int32).astype(jnp.int32)
    table = jax.random.normal(k_tab, (VOCAB, EMBED_DIM), dtype=jnp.float32) * 0.02
    W1 = jax.random.normal(k_w1, (128, EMBED_DIM), dtype=jnp.float32) * (1.0 / np.sqrt(EMBED_DIM))
    b1 = jax.random.normal(k_b1, (128,), dtype=jnp.float32) * 0.01
    W2 = jax.random.normal(k_w2, (1, 128), dtype=jnp.float32) * (1.0 / np.sqrt(128.0))
    b2 = jax.random.normal(k_b2, (1,), dtype=jnp.float32) * 0.01
    return {"x": x, "table": table, "W1": W1, "b1": b1, "W2": W2, "b2": b2}

def reference(x, table, W1, b1, W2, b2):
    # padding_idx=0: row 0 of the embedding table is forced to zero
    table_eff = table.at[0].set(0.0)
    emb = jnp.take(table_eff, x, axis=0)          # [B, L, D] gather
    s = emb.sum(axis=1)                            # sum over sequence dim
    # dropout is identity in eval mode
    h = jnp.maximum(s @ W1.T + b1, 0.0)            # Linear(64,128) + ReLU
    out = h @ W2.T + b2                            # Linear(128,1)
    return out

if __name__ == "__main__":
    import jax
    _d = setup_inputs()
    print(jax.jit(kernel)(*tuple(_d.values())))

</pallas_src>

<mosaic_0001>
#map = affine_map<(d0, d1) -> (0, 0)>
module attributes {stable_mosaic.version = 14 : i64} {
  func.func @_sc_body(%arg0: i32, %arg1: i32, %arg2: memref<8192x100xi32, #tpu.memory_space<hbm>>, %arg3: memref<1015808x64xf32, #tpu.memory_space<hbm>>, %arg4: memref<4096x64xf32, #tpu.memory_space<hbm>>, %arg5: memref<256x100xi32, #tpu.memory_space<vmem>>, %arg6: memref<4x200x64xf32, #tpu.memory_space<vmem>>, %arg7: memref<128x64xf32, #tpu.memory_space<vmem>>, %arg8: memref<!tpu.dma_semaphore, #tpu.memory_space<semaphore_mem>>, %arg9: memref<!tpu.dma_semaphore, #tpu.memory_space<semaphore_mem>>, %arg10: memref<!tpu.dma_semaphore, #tpu.memory_space<semaphore_mem>>, %arg11: memref<!tpu.dma_semaphore, #tpu.memory_space<semaphore_mem>>) attributes {dimension_semantics = [#tpu.dimension_semantics<core_parallel>, #tpu.dimension_semantics<subcore_parallel>], iteration_bounds = array<i64: 2, 16>, scalar_prefetch = 0 : i64, scratch_operands = 7 : i64, tpu.core_type = #tpu.core_type<sc_vector_subcore>, window_params = [{transform_indices = #map}, {transform_indices = #map}, {transform_indices = #map}]} {
    %mul3A = arith.constant 2 : i32
    %mul3A_0 = arith.muli %arg1, %mul3A : i32
    %add3A = arith.addi %mul3A_0, %arg0 : i32
    %mul3A_1 = arith.constant 256 : i32
    %mul3A_2 = arith.muli %add3A, %mul3A_1 : i32
    "tpu.region"() ({
      %run_scoped3A = tpu.sem_alloc : memref<!tpu.dma_semaphore, #tpu.memory_space<semaphore_mem>>
      %dma_start3A_105 = arith.constant 0 : i32
      %dma_start3A_106 = tpu.memref_slice %arg2[%mul3A_2, %dma_start3A_105] : memref<8192x100xi32, #tpu.memory_space<hbm>> -> memref<256x100xi32, #tpu.memory_space<hbm>>
      %dma_start3A_107 = arith.constant 0 : i32
      %dma_start3A_108 = tpu.memref_slice %arg2[%mul3A_2, %dma_start3A_107] : memref<8192x100xi32, #tpu.memory_space<hbm>> -> memref<256x100xi32, #tpu.memory_space<hbm>>
      tpu.enqueue_dma source(%dma_start3A_108 : memref<256x100xi32, #tpu.memory_space<hbm>>) target(%arg5 : memref<256x100xi32, #tpu.memory_space<vmem>>) target_semaphore(%run_scoped3A : memref<!tpu.dma_semaphore, #tpu.memory_space<semaphore_mem>>)
      %dma_wait3A = arith.constant 0 : i32
      %dma_wait3A_109 = tpu.memref_slice %arg2[%mul3A_2, %dma_wait3A] : memref<8192x100xi32, #tpu.memory_space<hbm>> -> memref<256x100xi32, #tpu.memory_space<hbm>>
      %dma_wait3A_110 = arith.constant 0 : i32
      %dma_wait3A_111 = tpu.memref_slice %arg2[%mul3A_2, %dma_wait3A_110] : memref<8192x100xi32, #tpu.memory_space<hbm>> -> memref<256x100xi32, #tpu.memory_space<hbm>>
      tpu.wait_dma2 semaphore(%run_scoped3A : memref<!tpu.dma_semaphore, #tpu.memory_space<semaphore_mem>>) src(%dma_wait3A_111 : memref<256x100xi32, #tpu.memory_space<hbm>>) dst(%arg5 : memref<256x100xi32, #tpu.memory_space<vmem>>)
      tpu.yield
    }) : () -> ()
    %dma_start3A = arith.constant 0 : i32
    %dma_start3A_3 = arith.constant 0 : i32
    %dma_start3A_4 = arith.constant 0 : i32
    %dma_start3A_5 = arith.constant 0 : i32
    %dma_start3A_6 = tpu.memref_slice %arg6[%dma_start3A_3, %dma_start3A_4, %dma_start3A_5] : memref<4x200x64xf32, #tpu.memory_space<vmem>> -> memref<1x100x64xf32, #tpu.memory_space<vmem>>
    %dma_start3A_7 = tpu.memref_squeeze %dma_start3A_6 : memref<1x100x64xf32, #tpu.memory_space<vmem>> -> memref<100x64xf32, #tpu.memory_space<vmem>>
    %dma_start3A_8 = arith.constant 0 : i32
    %dma_start3A_9 = tpu.memref_slice %arg5[%dma_start3A, %dma_start3A_8] : memref<256x100xi32, #tpu.memory_space<vmem>> -> memref<1x100xi32, #tpu.memory_space<vmem>>
    %dma_start3A_10 = tpu.memref_squeeze %dma_start3A_9 : memref<1x100xi32, #tpu.memory_space<vmem>> -> memref<100xi32, #tpu.memory_space<vmem>>
    %dma_start3A_11 = arith.constant 0 : i32
    %dma_start3A_12 = arith.constant 0 : i32
    %dma_start3A_13 = tpu.memref_slice %arg3[%dma_start3A_11, %dma_start3A_12] : memref<1015808x64xf32, #tpu.memory_space<hbm>> -> memref<1015808x64xf32, #tpu.memory_space<hbm>>
    tpu.enqueue_indirect_dma source(%dma_start3A_13 : memref<1015808x64xf32, #tpu.memory_space<hbm>>) target(%dma_start3A_7 : memref<100x64xf32, #tpu.memory_space<vmem>>) offsets(%dma_start3A_10 : memref<100xi32, #tpu.memory_space<vmem>>) semaphore(%arg8 : memref<!tpu.dma_semaphore, #tpu.memory_space<semaphore_mem>>)
    %dma_start3A_14 = arith.constant 1 : i32
    %dma_start3A_15 = arith.constant 0 : i32
    %dma_start3A_16 = arith.constant 100 : i32
    %dma_start3A_17 = arith.constant 0 : i32
    %dma_start3A_18 = tpu.memref_slice %arg6[%dma_start3A_15, %dma_start3A_16, %dma_start3A_17] : memref<4x200x64xf32, #tpu.memory_space<vmem>> -> memref<1x100x64xf32, #tpu.memory_space<vmem>>
    %dma_start3A_19 = tpu.memref_squeeze %dma_start3A_18 : memref<1x100x64xf32, #tpu.memory_space<vmem>> -> memref<100x64xf32, #tpu.memory_space<vmem>>
    %dma_start3A_20 = arith.constant 0 : i32
    %dma_start3A_21 = tpu.memref_slice %arg5[%dma_start3A_14, %dma_start3A_20] : memref<256x100xi32, #tpu.memory_space<vmem>> -> memref<1x100xi32, #tpu.memory_space<vmem>>
    %dma_start3A_22 = tpu.memref_squeeze %dma_start3A_21 : memref<1x100xi32, #tpu.memory_space<vmem>> -> memref<100xi32, #tpu.memory_space<vmem>>
    %dma_start3A_23 = arith.constant 0 : i32
    %dma_start3A_24 = arith.constant 0 : i32
    %dma_start3A_25 = tpu.memref_slice %arg3[%dma_start3A_23, %dma_start3A_24] : memref<1015808x64xf32, #tpu.memory_space<hbm>> -> memref<1015808x64xf32, #tpu.memory_space<hbm>>
    tpu.enqueue_indirect_dma source(%dma_start3A_25 : memref<1015808x64xf32, #tpu.memory_space<hbm>>) target(%dma_start3A_19 : memref<100x64xf32, #tpu.memory_space<vmem>>) offsets(%dma_start3A_22 : memref<100xi32, #tpu.memory_space<vmem>>) semaphore(%arg8 : memref<!tpu.dma_semaphore, #tpu.memory_space<semaphore_mem>>)
    %dma_start3A_26 = arith.constant 2 : i32
    %dma_start3A_27 = arith.constant 1 : i32
    %dma_start3A_28 = arith.constant 0 : i32
    %dma_start3A_29 = arith.constant 0 : i32
    %dma_start3A_30 = tpu.memref_slice %arg6[%dma_start3A_27, %dma_start3A_28, %dma_start3A_29] : memref<4x200x64xf32, #tpu.memory_space<vmem>> -> memref<1x100x64xf32, #tpu.memory_space<vmem>>
    %dma_start3A_31 = tpu.memref_squeeze %dma_start3A_30 : memref<1x100x64xf32, #tpu.memory_space<vmem>> -> memref<100x64xf32, #tpu.memory_space<vmem>>
    %dma_start3A_32 = arith.constant 0 : i32
    %dma_start3A_33 = tpu.memref_slice %arg5[%dma_start3A_26, %dma_start3A_32] : memref<256x100xi32, #tpu.memory_space<vmem>> -> memref<1x100xi32, #tpu.memory_space<vmem>>
    %dma_start3A_34 = tpu.memref_squeeze %dma_start3A_33 : memref<1x100xi32, #tpu.memory_space<vmem>> -> memref<100xi32, #tpu.memory_space<vmem>>
    %dma_start3A_35 = arith.constant 0 : i32
    %dma_start3A_36 = arith.constant 0 : i32
    %dma_start3A_37 = tpu.memref_slice %arg3[%dma_start3A_35, %dma_start3A_36] : memref<1015808x64xf32, #tpu.memory_space<hbm>> -> memref<1015808x64xf32, #tpu.memory_space<hbm>>
    tpu.enqueue_indirect_dma source(%dma_start3A_37 : memref<1015808x64xf32, #tpu.memory_space<hbm>>) target(%dma_start3A_31 : memref<100x64xf32, #tpu.memory_space<vmem>>) offsets(%dma_start3A_34 : memref<100xi32, #tpu.memory_space<vmem>>) semaphore(%arg9 : memref<!tpu.dma_semaphore, #tpu.memory_space<semaphore_mem>>)
    %dma_start3A_38 = arith.constant 3 : i32
    %dma_start3A_39 = arith.constant 1 : i32
    %dma_start3A_40 = arith.constant 100 : i32
    %dma_start3A_41 = arith.constant 0 : i32
    %dma_start3A_42 = tpu.memref_slice %arg6[%dma_start3A_39, %dma_start3A_40, %dma_start3A_41] : memref<4x200x64xf32, #tpu.memory_space<vmem>> -> memref<1x100x64xf32, #tpu.memory_space<vmem>>
    %dma_start3A_43 = tpu.memref_squeeze %dma_start3A_42 : memref<1x100x64xf32, #tpu.memory_space<vmem>> -> memref<100x64xf32, #tpu.memory_space<vmem>>
    %dma_start3A_44 = arith.constant 0 : i32
    %dma_start3A_45 = tpu.memref_slice %arg5[%dma_start3A_38, %dma_start3A_44] : memref<256x100xi32, #tpu.memory_space<vmem>> -> memref<1x100xi32, #tpu.memory_space<vmem>>
    %dma_start3A_46 = tpu.memref_squeeze %dma_start3A_45 : memref<1x100xi32, #tpu.memory_space<vmem>> -> memref<100xi32, #tpu.memory_space<vmem>>
    %dma_start3A_47 = arith.constant 0 : i32
    %dma_start3A_48 = arith.constant 0 : i32
    %dma_start3A_49 = tpu.memref_slice %arg3[%dma_start3A_47, %dma_start3A_48] : memref<1015808x64xf32, #tpu.memory_space<hbm>> -> memref<1015808x64xf32, #tpu.memory_space<hbm>>
    tpu.enqueue_indirect_dma source(%dma_start3A_49 : memref<1015808x64xf32, #tpu.memory_space<hbm>>) target(%dma_start3A_43 : memref<100x64xf32, #tpu.memory_space<vmem>>) offsets(%dma_start3A_46 : memref<100xi32, #tpu.memory_space<vmem>>) semaphore(%arg9 : memref<!tpu.dma_semaphore, #tpu.memory_space<semaphore_mem>>)
    %dma_start3A_50 = arith.constant 4 : i32
    %dma_start3A_51 = arith.constant 2 : i32
    %dma_start3A_52 = arith.constant 0 : i32
    %dma_start3A_53 = arith.constant 0 : i32
    %dma_start3A_54 = tpu.memref_slice %arg6[%dma_start3A_51, %dma_start3A_52, %dma_start3A_53] : memref<4x200x64xf32, #tpu.memory_space<vmem>> -> memref<1x100x64xf32, #tpu.memory_space<vmem>>
    %dma_start3A_55 = tpu.memref_squeeze %dma_start3A_54 : memref<1x100x64xf32, #tpu.memory_space<vmem>> -> memref<100x64xf32, #tpu.memory_space<vmem>>
    %dma_start3A_56 = arith.constant 0 : i32
    %dma_start3A_57 = tpu.memref_slice %arg5[%dma_start3A_50, %dma_start3A_56] : memref<256x100xi32, #tpu.memory_space<vmem>> -> memref<1x100xi32, #tpu.memory_space<vmem>>
    %dma_start3A_58 = tpu.memref_squeeze %dma_start3A_57 : memref<1x100xi32, #tpu.memory_space<vmem>> -> memref<100xi32, #tpu.memory_space<vmem>>
    %dma_start3A_59 = arith.constant 0 : i32
    %dma_start3A_60 = arith.constant 0 : i32
    %dma_start3A_61 = tpu.memref_slice %arg3[%dma_start3A_59, %dma_start3A_60] : memref<1015808x64xf32, #tpu.memory_space<hbm>> -> memref<1015808x64xf32, #tpu.memory_space<hbm>>
    tpu.enqueue_indirect_dma source(%dma_start3A_61 : memref<1015808x64xf32, #tpu.memory_space<hbm>>) target(%dma_start3A_55 : memref<100x64xf32, #tpu.memory_space<vmem>>) offsets(%dma_start3A_58 : memref<100xi32, #tpu.memory_space<vmem>>) semaphore(%arg10 : memref<!tpu.dma_semaphore, #tpu.memory_space<semaphore_mem>>)
    %dma_start3A_62 = arith.constant 5 : i32
    %dma_start3A_63 = arith.constant 2 : i32
    %dma_start3A_64 = arith.constant 100 : i32
    %dma_start3A_65 = arith.constant 0 : i32
    %dma_start3A_66 = tpu.memref_slice %arg6[%dma_start3A_63, %dma_start3A_64, %dma_start3A_65] : memref<4x200x64xf32, #tpu.memory_space<vmem>> -> memref<1x100x64xf32, #tpu.memory_space<vmem>>
    %dma_start3A_67 = tpu.memref_squeeze %dma_start3A_66 : memref<1x100x64xf32, #tpu.memory_space<vmem>> -> memref<100x64xf32, #tpu.memory_space<vmem>>
    %dma_start3A_68 = arith.constant 0 : i32
    %dma_start3A_69 = tpu.memref_slice %arg5[%dma_start3A_62, %dma_start3A_68] : memref<256x100xi32, #tpu.memory_space<vmem>> -> memref<1x100xi32, #tpu.memory_space<vmem>>
    %dma_start3A_70 = tpu.memref_squeeze %dma_start3A_69 : memref<1x100xi32, #tpu.memory_space<vmem>> -> memref<100xi32, #tpu.memory_space<vmem>>
    %dma_start3A_71 = arith.constant 0 : i32
    %dma_start3A_72 = arith.constant 0 : i32
    %dma_start3A_73 = tpu.memref_slice %arg3[%dma_start3A_71, %dma_start3A_72] : memref<1015808x64xf32, #tpu.memory_space<hbm>> -> memref<1015808x64xf32, #tpu.memory_space<hbm>>
    tpu.enqueue_indirect_dma source(%dma_start3A_73 : memref<1015808x64xf32, #tpu.memory_space<hbm>>) target(%dma_start3A_67 : memref<100x64xf32, #tpu.memory_space<vmem>>) offsets(%dma_start3A_70 : memref<100xi32, #tpu.memory_space<vmem>>) semaphore(%arg10 : memref<!tpu.dma_semaphore, #tpu.memory_space<semaphore_mem>>)
    %dma_start3A_74 = arith.constant 6 : i32
    %dma_start3A_75 = arith.constant 3 : i32
    %dma_start3A_76 = arith.constant 0 : i32
    %dma_start3A_77 = arith.constant 0 : i32
    %dma_start3A_78 = tpu.memref_slice %arg6[%dma_start3A_75, %dma_start3A_76, %dma_start3A_77] : memref<4x200x64xf32, #tpu.memory_space<vmem>> -> memref<1x100x64xf32, #tpu.memory_space<vmem>>
    %dma_start3A_79 = tpu.memref_squeeze %dma_start3A_78 : memref<1x100x64xf32, #tpu.memory_space<vmem>> -> memref<100x64xf32, #tpu.memory_space<vmem>>
    %dma_start3A_80 = arith.constant 0 : i32
    %dma_start3A_81 = tpu.memref_slice %arg5[%dma_start3A_74, %dma_start3A_80] : memref<256x100xi32, #tpu.memory_space<vmem>> -> memref<1x100xi32, #tpu.memory_space<vmem>>
    %dma_start3A_82 = tpu.memref_squeeze %dma_start3A_81 : memref<1x100xi32, #tpu.memory_space<vmem>> -> memref<100xi32, #tpu.memory_space<vmem>>
    %dma_start3A_83 = arith.constant 0 : i32
    %dma_start3A_84 = arith.constant 0 : i32
    %dma_start3A_85 = tpu.memref_slice %arg3[%dma_start3A_83, %dma_start3A_84] : memref<1015808x64xf32, #tpu.memory_space<hbm>> -> memref<1015808x64xf32, #tpu.memory_space<hbm>>
    tpu.enqueue_indirect_dma source(%dma_start3A_85 : memref<1015808x64xf32, #tpu.memory_space<hbm>>) target(%dma_start3A_79 : memref<100x64xf32, #tpu.memory_space<vmem>>) offsets(%dma_start3A_82 : memref<100xi32, #tpu.memory_space<vmem>>) semaphore(%arg11 : memref<!tpu.dma_semaphore, #tpu.memory_space<semaphore_mem>>)
    %dma_start3A_86 = arith.constant 7 : i32
    %dma_start3A_87 = arith.constant 3 : i32
    %dma_start3A_88 = arith.constant 100 : i32
    %dma_start3A_89 = arith.constant 0 : i32
    %dma_start3A_90 = tpu.memref_slice %arg6[%dma_start3A_87, %dma_start3A_88, %dma_start3A_89] : memref<4x200x64xf32, #tpu.memory_space<vmem>> -> memref<1x100x64xf32, #tpu.memory_space<vmem>>
    %dma_start3A_91 = tpu.memref_squeeze %dma_start3A_90 : memref<1x100x64xf32, #tpu.memory_space<vmem>> -> memref<100x64xf32, #tpu.memory_space<vmem>>
    %dma_start3A_92 = arith.constant 0 : i32
    %dma_start3A_93 = tpu.memref_slice %arg5[%dma_start3A_86, %dma_start3A_92] : memref<256x100xi32, #tpu.memory_space<vmem>> -> memref<1x100xi32, #tpu.memory_space<vmem>>
    %dma_start3A_94 = tpu.memref_squeeze %dma_start3A_93 : memref<1x100xi32, #tpu.memory_space<vmem>> -> memref<100xi32, #tpu.memory_space<vmem>>
    %dma_start3A_95 = arith.constant 0 : i32
    %dma_start3A_96 = arith.constant 0 : i32
    %dma_start3A_97 = tpu.memref_slice %arg3[%dma_start3A_95, %dma_start3A_96] : memref<1015808x64xf32, #tpu.memory_space<hbm>> -> memref<1015808x64xf32, #tpu.memory_space<hbm>>
    tpu.enqueue_indirect_dma source(%dma_start3A_97 : memref<1015808x64xf32, #tpu.memory_space<hbm>>) target(%dma_start3A_91 : memref<100x64xf32, #tpu.memory_space<vmem>>) offsets(%dma_start3A_94 : memref<100xi32, #tpu.memory_space<vmem>>) semaphore(%arg11 : memref<!tpu.dma_semaphore, #tpu.memory_space<semaphore_mem>>)
    %scan3A = arith.constant 0 : i32
    %scan3A_98 = arith.constant 0 : i32
    %scan3A_99 = arith.constant 32 : i32
    %scan3A_100 = arith.addi %scan3A_98, %scan3A_99 : i32
    %scan3A_101 = arith.constant 1 : i32
    scf.for %scan3A_105 = %scan3A_98 to %scan3A_100 step %scan3A_101  : i32 {
      %mul3A_106 = arith.constant 4 : i32
      %mul3A_107 = arith.muli %mul3A_106, %scan3A_105 : i32
      %add3A_108 = arith.constant 0 : i32
      %add3A_109 = arith.addi %mul3A_107, %add3A_108 : i32
      %dma_wait3A = arith.constant 0 : i32
      %dma_wait3A_110 = arith.constant 0 : i32
      %dma_wait3A_111 = arith.constant 0 : i32
      %dma_wait3A_112 = arith.constant 0 : i32
      %dma_wait3A_113 = tpu.memref_slice %arg6[%dma_wait3A_110, %dma_wait3A_111, %dma_wait3A_112] : memref<4x200x64xf32, #tpu.memory_space<vmem>> -> memref<1x100x64xf32, #tpu.memory_space<vmem>>
      %dma_wait3A_114 = tpu.memref_squeeze %dma_wait3A_113 : memref<1x100x64xf32, #tpu.memory_space<vmem>> -> memref<100x64xf32, #tpu.memory_space<vmem>>
      %dma_wait3A_115 = arith.constant 0 : i32
      %dma_wait3A_116 = tpu.memref_slice %arg5[%dma_wait3A, %dma_wait3A_115] : memref<256x100xi32, #tpu.memory_space<vmem>> -> memref<1x100xi32, #tpu.memory_space<vmem>>
      %dma_wait3A_117 = tpu.memref_squeeze %dma_wait3A_116 : memref<1x100xi32, #tpu.memory_space<vmem>> -> memref<100xi32, #tpu.memory_space<vmem>>
      %dma_wait3A_118 = arith.constant 0 : i32
      %dma_wait3A_119 = arith.constant 0 : i32
      %dma_wait3A_120 = tpu.memref_slice %arg3[%dma_wait3A_118, %dma_wait3A_119] : memref<1015808x64xf32, #tpu.memory_space<hbm>> -> memref<1015808x64xf32, #tpu.memory_space<hbm>>
      tpu.wait_indirect_dma semaphore(%arg8 : memref<!tpu.dma_semaphore, #tpu.memory_space<semaphore_mem>>) src(%dma_wait3A_120 : memref<1015808x64xf32, #tpu.memory_space<hbm>>) dst(%dma_wait3A_114 : memref<100x64xf32, #tpu.memory_space<vmem>>)
      %dma_wait3A_121 = arith.constant 0 : i32
      %dma_wait3A_122 = arith.constant 0 : i32
      %dma_wait3A_123 = arith.constant 100 : i32
      %dma_wait3A_124 = arith.constant 0 : i32
      %dma_wait3A_125 = tpu.memref_slice %arg6[%dma_wait3A_122, %dma_wait3A_123, %dma_wait3A_124] : memref<4x200x64xf32, #tpu.memory_space<vmem>> -> memref<1x100x64xf32, #tpu.memory_space<vmem>>
      %dma_wait3A_126 = tpu.memref_squeeze %dma_wait3A_125 : memref<1x100x64xf32, #tpu.memory_space<vmem>> -> memref<100x64xf32, #tpu.memory_space<vmem>>
      %dma_wait3A_127 = arith.constant 0 : i32
      %dma_wait3A_128 = tpu.memref_slice %arg5[%dma_wait3A_121, %dma_wait3A_127] : memref<256x100xi32, #tpu.memory_space<vmem>> -> memref<1x100xi32, #tpu.memory_space<vmem>>
      %dma_wait3A_129 = tpu.memref_squeeze %dma_wait3A_128 : memref<1x100xi32, #tpu.memory_space<vmem>> -> memref<100xi32, #tpu.memory_space<vmem>>
      %dma_wait3A_130 = arith.constant 0 : i32
      %dma_wait3A_131 = arith.constant 0 : i32
      %dma_wait3A_132 = tpu.memref_slice %arg3[%dma_wait3A_130, %dma_wait3A_131] : memref<1015808x64xf32, #tpu.memory_space<hbm>> -> memref<1015808x64xf32, #tpu.memory_space<hbm>>
      tpu.wait_indirect_dma semaphore(%arg8 : memref<!tpu.dma_semaphore, #tpu.memory_space<semaphore_mem>>) src(%dma_wait3A_132 : memref<1015808x64xf32, #tpu.memory_space<hbm>>) dst(%dma_wait3A_126 : memref<100x64xf32, #tpu.memory_space<vmem>>)
      %broadcast_in_dim3A = arith.constant 0.000000e+00 : f32
      %broadcast_in_dim3A_133 = vector.broadcast %broadcast_in_dim3A : f32 to vector<16xf32>
      %scan3A_134 = arith.constant 0 : i32
      %scan3A_135 = arith.constant 200 : i32
      %scan3A_136 = arith.addi %scan3A_134, %scan3A_135 : i32
      %scan3A_137 = arith.constant 8 : i32
      %scan3A_138:4 = scf.for %scan3A_352 = %scan3A_134 to %scan3A_136 step %scan3A_137 iter_args(%scan3A_353 = %broadcast_in_dim3A_133, %scan3A_354 = %broadcast_in_dim3A_133, %scan3A_355 = %broadcast_in_dim3A_133, %scan3A_356 = %broadcast_in_dim3A_133) -> (vector<16xf32>, vector<16xf32>, vector<16xf32>, vector<16xf32>)  : i32 {
        %get3A = arith.constant 0 : i32
        %get3A_357 = arith.index_cast %get3A : i32 to index
        %get3A_358 = arith.index_cast %scan3A_352 : i32 to index
        %get3A_359 = arith.constant 0 : index
        %get3A_360 = tpu.vector_load %arg6[%get3A_357, %get3A_358, %get3A_359] {strides = array<i32>} : memref<4x200x64xf32, #tpu.memory_space<vmem>>, vector<1x1x16xf32>,
        %get3A_361 = vector.shape_cast %get3A_360 : vector<1x1x16xf32> to vector<16xf32>
        %add3A_362 = arith.addf %scan3A_353, %get3A_361 : vector<16xf32>
        %get3A_363 = arith.constant 0 : i32
        %get3A_364 = arith.index_cast %get3A_363 : i32 to index
        %get3A_365 = arith.index_cast %scan3A_352 : i32 to index
        %get3A_366 = arith.constant 16 : index
        %get3A_367 = tpu.vector_load %arg6[%get3A_364, %get3A_365, %get3A_366] {strides = array<i32>} : memref<4x200x64xf32, #tpu.memory_space<vmem>>, vector<1x1x16xf32>,
        %get3A_368 = vector.shape_cast %get3A_367 : vector<1x1x16xf32> to vector<16xf32>
        %add3A_369 = arith.addf %scan3A_354, %get3A_368 : vector<16xf32>
        %get3A_370 = arith.constant 0 : i32
        %get3A_371 = arith.index_cast %get3A_370 : i32 to index
        %get3A_372 = arith.index_cast %scan3A_352 : i32 to index
        %get3A_373 = arith.constant 32 : index
        %get3A_374 = tpu.vector_load %arg6[%get3A_371, %get3A_372, %get3A_373] {strides = array<i32>} : memref<4x200x64xf32, #tpu.memory_space<vmem>>, vector<1x1x16xf32>,
        %get3A_375 = vector.shape_cast %get3A_374 : vector<1x1x16xf32> to vector<16xf32>
        %add3A_376 = arith.addf %scan3A_355, %get3A_375 : vector<16xf32>
        %get3A_377 = arith.constant 0 : i32
        %get3A_378 = arith.index_cast %get3A_377 : i32 to index
        %get3A_379 = arith.index_cast %scan3A_352 : i32 to index
        %get3A_380 = arith.constant 48 : index
        %get3A_381 = tpu.vector_load %arg6[%get3A_378, %get3A_379, %get3A_380] {strides = array<i32>} : memref<4x200x64xf32, #tpu.memory_space<vmem>>, vector<1x1x16xf32>,
        %get3A_382 = vector.shape_cast %get3A_381 : vector<1x1x16xf32> to vector<16xf32>
        %add3A_383 = arith.addf %scan3A_356, %get3A_382 : vector<16xf32>
        %scan3A_384 = arith.constant 1 : i32
        %scan3A_385 = arith.addi %scan3A_352, %scan3A_384 : i32
        %get3A_386 = arith.constant 0 : i32
        %get3A_387 = arith.index_cast %get3A_386 : i32 to index
        %get3A_388 = arith.index_cast %scan3A_385 : i32 to index
        %get3A_389 = arith.constant 0 : index
        %get3A_390 = tpu.vector_load %arg6[%get3A_387, %get3A_388, %get3A_389] {strides = array<i32>} : memref<4x200x64xf32, #tpu.memory_space<vmem>>, vector<1x1x16xf32>,
        %get3A_391 = vector.shape_cast %get3A_390 : vector<1x1x16xf32> to vector<16xf32>
        %add3A_392 = arith.addf %add3A_362, %get3A_391 : vector<16xf32>
        %get3A_393 = arith.constant 0 : i32
        %get3A_394 = arith.index_cast %get3A_393 : i32 to index
        %get3A_395 = arith.index_cast %scan3A_385 : i32 to index
        %get3A_396 = arith.constant 16 : index
        %get3A_397 = tpu.vector_load %arg6[%get3A_394, %get3A_395, %get3A_396] {strides = array<i32>} : memref<4x200x64xf32, #tpu.memory_space<vmem>>, vector<1x1x16xf32>,
        %get3A_398 = vector.shape_cast %get3A_397 : vector<1x1x16xf32> to vector<16xf32>
        %add3A_399 = arith.addf %add3A_369, %get3A_398 : vector<16xf32>
        %get3A_400 = arith.constant 0 : i32
        %get3A_401 = arith.index_cast %get3A_400 : i32 to index
        %get3A_402 = arith.index_cast %scan3A_385 : i32 to index
        %get3A_403 = arith.constant 32 : index
        %get3A_404 = tpu.vector_load %arg6[%get3A_401, %get3A_402, %get3A_403] {strides = array<i32>} : memref<4x200x64xf32, #tpu.memory_space<vmem>>, vector<1x1x16xf32>,
        %get3A_405 = vector.shape_cast %get3A_404 : vector<1x1x16xf32> to vector<16xf32>
        %add3A_406 = arith.addf %add3A_376, %get3A_405 : vector<16xf32>
        %get3A_407 = arith.constant 0 : i32
        %get3A_408 = arith.index_cast %get3A_407 : i32 to index
        %get3A_409 = arith.index_cast %scan3A_385 : i32 to index
        %get3A_410 = arith.constant 48 : index
        %get3A_411 = tpu.vector_load %arg6[%get3A_408, %get3A_409, %get3A_410] {strides = array<i32>} : memref<4x200x64xf32, #tpu.memory_space<vmem>>, vector<1x1x16xf32>,
        %get3A_412 = vector.shape_cast %get3A_411 : vector<1x1x16xf32> to vector<16xf32>
        %add3A_413 = arith.addf %add3A_383, %get3A_412 : vector<16xf32>
        %scan3A_414 = arith.constant 2 : i32
        %scan3A_415 = arith.addi %scan3A_352, %scan3A_414 : i32
        %get3A_416 = arith.constant 0 : i32
        %get3A_417 = arith.index_cast %get3A_416 : i32 to index
        %get3A_418 = arith.index_cast %scan3A_415 : i32 to index
        %get3A_419 = arith.constant 0 : index
        %get3A_420 = tpu.vector_load %arg6[%get3A_417, %get3A_418, %get3A_419] {strides = array<i32>} : memref<4x200x64xf32, #tpu.memory_space<vmem>>, vector<1x1x16xf32>,
        %get3A_421 = vector.shape_cast %get3A_420 : vector<1x1x16xf32> to vector<16xf32>
        %add3A_422 = arith.addf %add3A_392, %get3A_421 : vector<16xf32>
        %get3A_423 = arith.constant 0 : i32
        %get3A_424 = arith.index_cast %get3A_423 : i32 to index
        %get3A_425 = arith.index_cast %scan3A_415 : i32 to index
        %get3A_426 = arith.constant 16 : index
        %get3A_427 = tpu.vector_load %arg6[%get3A_424, %get3A_425, %get3A_426] {strides = array<i32>} : memref<4x200x64xf32, #tpu.memory_space<vmem>>, vector<1x1x16xf32>,
        %get3A_428 = vector.shape_cast %get3A_427 : vector<1x1x16xf32> to vector<16xf32>
        %add3A_429 = arith.addf %add3A_399, %get3A_428 : vector<16xf32>
        %get3A_430 = arith.constant 0 : i32
        %get3A_431 = arith.index_cast %get3A_430 : i32 to index
        %get3A_432 = arith.index_cast %scan3A_415 : i32 to index
        %get3A_433 = arith.constant 32 : index
        %get3A_434 = tpu.vector_load %arg6[%get3A_431, %get3A_432, %get3A_433] {strides = array<i32>} : memref<4x200x64xf32, #tpu.memory_space<vmem>>, vector<1x1x16xf32>,
        %get3A_435 = vector.shape_cast %get3A_434 : vector<1x1x16xf32> to vector<16xf32>
        %add3A_436 = arith.addf %add3A_406, %get3A_435 : vector<16xf32>
        %get3A_437 = arith.constant 0 : i32
        %get3A_438 = arith.index_cast %get3A_437 : i32 to index
        %get3A_439 = arith.index_cast %scan3A_415 : i32 to index
        %get3A_440 = arith.constant 48 : index
        %get3A_441 = tpu.vector_load %arg6[%get3A_438, %get3A_439, %get3A_440] {strides = array<i32>} : memref<4x200x64xf32, #tpu.memory_space<vmem>>, vector<1x1x16xf32>,
        %get3A_442 = vector.shape_cast %get3A_441 : vector<1x1x16xf32> to vector<16xf32>
        %add3A_443 = arith.addf %add3A_413, %get3A_442 : vector<16xf32>
        %scan3A_444 = arith.constant 3 : i32
        %scan3A_445 = arith.addi %scan3A_352, %scan3A_444 : i32
        %get3A_446 = arith.constant 0 : i32
        %get3A_447 = arith.index_cast %get3A_446 : i32 to index
        %get3A_448 = arith.index_cast %scan3A_445 : i32 to index
        %get3A_449 = arith.constant 0 : index
        %get3A_450 = tpu.vector_load %arg6[%get3A_447, %get3A_448, %get3A_449] {strides = array<i32>} : memref<4x200x64xf32, #tpu.memory_space<vmem>>, vector<1x1x16xf32>,
        %get3A_451 = vector.shape_cast %get3A_450 : vector<1x1x16xf32> to vector<16xf32>
        %add3A_452 = arith.addf %add3A_422, %get3A_451 : vector<16xf32>
        %get3A_453 = arith.constant 0 : i32
        %get3A_454 = arith.index_cast %get3A_453 : i32 to index
        %get3A_455 = arith.index_cast %scan3A_445 : i32 to index
        %get3A_456 = arith.constant 16 : index
        %get3A_457 = tpu.vector_load %arg6[%get3A_454, %get3A_455, %get3A_456] {strides = array<i32>} : memref<4x200x64xf32, #tpu.memory_space<vmem>>, vector<1x1x16xf32>,
        %get3A_458 = vector.shape_cast %get3A_457 : vector<1x1x16xf32> to vector<16xf32>
        %add3A_459 = arith.addf %add3A_429, %get3A_458 : vector<16xf32>
        %get3A_460 = arith.constant 0 : i32
        %get3A_461 = arith.index_cast %get3A_460 : i32 to index
        %get3A_462 = arith.index_cast %scan3A_445 : i32 to index
        %get3A_463 = arith.constant 32 : index
        %get3A_464 = tpu.vector_load %arg6[%get3A_461, %get3A_462, %get3A_463] {strides = array<i32>} : memref<4x200x64xf32, #tpu.memory_space<vmem>>, vector<1x1x16xf32>,
        %get3A_465 = vector.shape_cast %get3A_464 : vector<1x1x16xf32> to vector<16xf32>
        %add3A_466 = arith.addf %add3A_436, %get3A_465 : vector<16xf32>
        %get3A_467 = arith.constant 0 : i32
        %get3A_468 = arith.index_cast %get3A_467 : i32 to index
        %get3A_469 = arith.index_cast %scan3A_445 : i32 to index
        %get3A_470 = arith.constant 48 : index
        %get3A_471 = tpu.vector_load %arg6[%get3A_468, %get3A_469, %get3A_470] {strides = array<i32>} : memref<4x200x64xf32, #tpu.memory_space<vmem>>, vector<1x1x16xf32>,
        %get3A_472 = vector.shape_cast %get3A_471 : vector<1x1x16xf32> to vector<16xf32>
        %add3A_473 = arith.addf %add3A_443, %get3A_472 : vector<16xf32>
        %scan3A_474 = arith.constant 4 : i32
        %scan3A_475 = arith.addi %scan3A_352, %scan3A_474 : i32
        %get3A_476 = arith.constant 0 : i32
        %get3A_477 = arith.index_cast %get3A_476 : i32 to index
        %get3A_478 = arith.index_cast %scan3A_475 : i32 to index
        %get3A_479 = arith.constant 0 : index
        %get3A_480 = tpu.vector_load %arg6[%get3A_477, %get3A_478, %get3A_479] {strides = array<i32>} : memref<4x200x64xf32, #tpu.memory_space<vmem>>, vector<1x1x16xf32>,
        %get3A_481 = vector.shape_cast %get3A_480 : vector<1x1x16xf32> to vector<16xf32>
        %add3A_482 = arith.addf %add3A_452, %get3A_481 : vector<16xf32>
        %get3A_483 = arith.constant 0 : i32
        %get3A_484 = arith.index_cast %get3A_483 : i32 to index
        %get3A_485 = arith.index_cast %scan3A_475 : i32 to index
        %get3A_486 = arith.constant 16 : index
        %get3A_487 = tpu.vector_load %arg6[%get3A_484, %get3A_485, %get3A_486] {strides = array<i32>} : memref<4x200x64xf32, #tpu.memory_space<vmem>>, vector<1x1x16xf32>,
        %get3A_488 = vector.shape_cast %get3A_487 : vector<1x1x16xf32> to vector<16xf32>
        %add3A_489 = arith.addf %add3A_459, %get3A_488 : vector<16xf32>
        %get3A_490 = arith.constant 0 : i32
        %get3A_491 = arith.index_cast %get3A_490 : i32 to index
        %get3A_492 = arith.index_cast %scan3A_475 : i32 to index
        %get3A_493 = arith.constant 32 : index
        %get3A_494 = tpu.vector_load %arg6[%get3A_491, %get3A_492, %get3A_493] {strides = array<i32>} : memref<4x200x64xf32, #tpu.memory_space<vmem>>, vector<1x1x16xf32>,
        %get3A_495 = vector.shape_cast %get3A_494 : vector<1x1x16xf32> to vector<16xf32>
        %add3A_496 = arith.addf %add3A_466, %get3A_495 : vector<16xf32>
        %get3A_497 = arith.constant 0 : i32
        %get3A_498 = arith.index_cast %get3A_497 : i32 to index
        %get3A_499 = arith.index_cast %scan3A_475 : i32 to index
        %get3A_500 = arith.constant 48 : index
        %get3A_501 = tpu.vector_load %arg6[%get3A_498, %get3A_499, %get3A_500] {strides = array<i32>} : memref<4x200x64xf32, #tpu.memory_space<vmem>>, vector<1x1x16xf32>,
        %get3A_502 = vector.shape_cast %get3A_501 : vector<1x1x16xf32> to vector<16xf32>
        %add3A_503 = arith.addf %add3A_473, %get3A_502 : vector<16xf32>
        %scan3A_504 = arith.constant 5 : i32
        %scan3A_505 = arith.addi %scan3A_352, %scan3A_504 : i32
        %get3A_506 = arith.constant 0 : i32
        %get3A_507 = arith.index_cast %get3A_506 : i32 to index
        %get3A_508 = arith.index_cast %scan3A_505 : i32 to index
        %get3A_509 = arith.constant 0 : index
        %get3A_510 = tpu.vector_load %arg6[%get3A_507, %get3A_508, %get3A_509] {strides = array<i32>} : memref<4x200x64xf32, #tpu.memory_space<vmem>>, vector<1x1x16xf32>,
        %get3A_511 = vector.shape_cast %get3A_510 : vector<1x1x16xf32> to vector<16xf32>
        %add3A_512 = arith.addf %add3A_482, %get3A_511 : vector<16xf32>
        %get3A_513 = arith.constant 0 : i32
        %get3A_514 = arith.index_cast %get3A_513 : i32 to index
        %get3A_515 = arith.index_cast %scan3A_505 : i32 to index
        %get3A_516 = arith.constant 16 : index
        %get3A_517 = tpu.vector_load %arg6[%get3A_514, %get3A_515, %get3A_516] {strides = array<i32>} : memref<4x200x64xf32, #tpu.memory_space<vmem>>, vector<1x1x16xf32>,
        %get3A_518 = vector.shape_cast %get3A_517 : vector<1x1x16xf32> to vector<16xf32>
        %add3A_519 = arith.addf %add3A_489, %get3A_518 : vector<16xf32>
        %get3A_520 = arith.constant 0 : i32
        %get3A_521 = arith.index_cast %get3A_520 : i32 to index
        %get3A_522 = arith.index_cast %scan3A_505 : i32 to index
        %get3A_523 = arith.constant 32 : index
        %get3A_524 = tpu.vector_load %arg6[%get3A_521, %get3A_522, %get3A_523] {strides = array<i32>} : memref<4x200x64xf32, #tpu.memory_space<vmem>>, vector<1x1x16xf32>,
        %get3A_525 = vector.shape_cast %get3A_524 : vector<1x1x16xf32> to vector<16xf32>
        %add3A_526 = arith.addf %add3A_496, %get3A_525 : vector<16xf32>
        %get3A_527 = arith.constant 0 : i32
        %get3A_528 = arith.index_cast %get3A_527 : i32 to index
        %get3A_529 = arith.index_cast %scan3A_505 : i32 to index
        %get3A_530 = arith.constant 48 : index
        %get3A_531 = tpu.vector_load %arg6[%get3A_528, %get3A_529, %get3A_530] {strides = array<i32>} : memref<4x200x64xf32, #tpu.memory_space<vmem>>, vector<1x1x16xf32>,
        %get3A_532 = vector.shape_cast %get3A_531 : vector<1x1x16xf32> to vector<16xf32>
        %add3A_533 = arith.addf %add3A_503, %get3A_532 : vector<16xf32>
        %scan3A_534 = arith.constant 6 : i32
        %scan3A_535 = arith.addi %scan3A_352, %scan3A_534 : i32
        %get3A_536 = arith.constant 0 : i32
        %get3A_537 = arith.index_cast %get3A_536 : i32 to index
        %get3A_538 = arith.index_cast %scan3A_535 : i32 to index
        %get3A_539 = arith.constant 0 : index
        %get3A_540 = tpu.vector_load %arg6[%get3A_537, %get3A_538, %get3A_539] {strides = array<i32>} : memref<4x200x64xf32, #tpu.memory_space<vmem>>, vector<1x1x16xf32>,
        %get3A_541 = vector.shape_cast %get3A_540 : vector<1x1x16xf32> to vector<16xf32>
        %add3A_542 = arith.addf %add3A_512, %get3A_541 : vector<16xf32>
        %get3A_543 = arith.constant 0 : i32
        %get3A_544 = arith.index_cast %get3A_543 : i32 to index
        %get3A_545 = arith.index_cast %scan3A_535 : i32 to index
        %get3A_546 = arith.constant 16 : index
        %get3A_547 = tpu.vector_load %arg6[%get3A_544, %get3A_545, %get3A_546] {strides = array<i32>} : memref<4x200x64xf32, #tpu.memory_space<vmem>>, vector<1x1x16xf32>,
        %get3A_548 = vector.shape_cast %get3A_547 : vector<1x1x16xf32> to vector<16xf32>
        %add3A_549 = arith.addf %add3A_519, %get3A_548 : vector<16xf32>
        %get3A_550 = arith.constant 0 : i32
        %get3A_551 = arith.index_cast %get3A_550 : i32 to index
        %get3A_552 = arith.index_cast %scan3A_535 : i32 to index
        %get3A_553 = arith.constant 32 : index
        %get3A_554 = tpu.vector_load %arg6[%get3A_551, %get3A_552, %get3A_553] {strides = array<i32>} : memref<4x200x64xf32, #tpu.memory_space<vmem>>, vector<1x1x16xf32>,
        %get3A_555 = vector.shape_cast %get3A_554 : vector<1x1x16xf32> to vector<16xf32>
        %add3A_556 = arith.addf %add3A_526, %get3A_555 : vector<16xf32>
        %get3A_557 = arith.constant 0 : i32
        %get3A_558 = arith.index_cast %get3A_557 : i32 to index
        %get3A_559 = arith.index_cast %scan3A_535 : i32 to index
        %get3A_560 = arith.constant 48 : index
        %get3A_561 = tpu.vector_load %arg6[%get3A_558, %get3A_559, %get3A_560] {strides = array<i32>} : memref<4x200x64xf32, #tpu.memory_space<vmem>>, vector<1x1x16xf32>,
        %get3A_562 = vector.shape_cast %get3A_561 : vector<1x1x16xf32> to vector<16xf32>
        %add3A_563 = arith.addf %add3A_533, %get3A_562 : vector<16xf32>
        %scan3A_564 = arith.constant 7 : i32
        %scan3A_565 = arith.addi %scan3A_352, %scan3A_564 : i32
        %get3A_566 = arith.constant 0 : i32
        %get3A_567 = arith.index_cast %get3A_566 : i32 to index
        %get3A_568 = arith.index_cast %scan3A_565 : i32 to index
        %get3A_569 = arith.constant 0 : index
        %get3A_570 = tpu.vector_load %arg6[%get3A_567, %get3A_568, %get3A_569] {strides = array<i32>} : memref<4x200x64xf32, #tpu.memory_space<vmem>>, vector<1x1x16xf32>,
        %get3A_571 = vector.shape_cast %get3A_570 : vector<1x1x16xf32> to vector<16xf32>
        %add3A_572 = arith.addf %add3A_542, %get3A_571 : vector<16xf32>
        %get3A_573 = arith.constant 0 : i32
        %get3A_574 = arith.index_cast %get3A_573 : i32 to index
        %get3A_575 = arith.index_cast %scan3A_565 : i32 to index
        %get3A_576 = arith.constant 16 : index
        %get3A_577 = tpu.vector_load %arg6[%get3A_574, %get3A_575, %get3A_576] {strides = array<i32>} : memref<4x200x64xf32, #tpu.memory_space<vmem>>, vector<1x1x16xf32>,
        %get3A_578 = vector.shape_cast %get3A_577 : vector<1x1x16xf32> to vector<16xf32>
        %add3A_579 = arith.addf %add3A_549, %get3A_578 : vector<16xf32>
        %get3A_580 = arith.constant 0 : i32
        %get3A_581 = arith.index_cast %get3A_580 : i32 to index
        %get3A_582 = arith.index_cast %scan3A_565 : i32 to index
        %get3A_583 = arith.constant 32 : index
        %get3A_584 = tpu.vector_load %arg6[%get3A_581, %get3A_582, %get3A_583] {strides = array<i32>} : memref<4x200x64xf32, #tpu.memory_space<vmem>>, vector<1x1x16xf32>,
        %get3A_585 = vector.shape_cast %get3A_584 : vector<1x1x16xf32> to vector<16xf32>
        %add3A_586 = arith.addf %add3A_556, %get3A_585 : vector<16xf32>
        %get3A_587 = arith.constant 0 : i32
        %get3A_588 = arith.index_cast %get3A_587 : i32 to index
        %get3A_589 = arith.index_cast %scan3A_565 : i32 to index
        %get3A_590 = arith.constant 48 : index
        %get3A_591 = tpu.vector_load %arg6[%get3A_588, %get3A_589, %get3A_590] {strides = array<i32>} : memref<4x200x64xf32, #tpu.memory_space<vmem>>, vector<1x1x16xf32>,
        %get3A_592 = vector.shape_cast %get3A_591 : vector<1x1x16xf32> to vector<16xf32>
        %add3A_593 = arith.addf %add3A_563, %get3A_592 : vector<16xf32>
        scf.yield %add3A_572, %add3A_579, %add3A_586, %add3A_593 : vector<16xf32>, vector<16xf32>, vector<16xf32>, vector<16xf32>
      }
      %scan3A_139 = arith.constant 200 : i32
      %swap3A = arith.index_cast %add3A_109 : i32 to index
      %swap3A_140 = arith.constant 0 : index
      %swap3A_141 = tpu.vector_load %arg7[%swap3A, %swap3A_140] {strides = array<i32>} : memref<128x64xf32, #tpu.memory_space<vmem>>, vector<1x16xf32>,
      %swap3A_142 = vector.shape_cast %swap3A_141 : vector<1x16xf32> to vector<16xf32>
      %swap3A_143 = vector.shape_cast %scan3A_138#0 : vector<16xf32> to vector<1x16xf32>
      tpu.vector_store %arg7[%swap3A, %swap3A_140], %swap3A_143 {strides = array<i32>} : memref<128x64xf32, #tpu.memory_space<vmem>>, vector<1x16xf32>,
      %swap3A_144 = arith.index_cast %add3A_109 : i32 to index
      %swap3A_145 = arith.constant 16 : index
      %swap3A_146 = tpu.vector_load %arg7[%swap3A_144, %swap3A_145] {strides = array<i32>} : memref<128x64xf32, #tpu.memory_space<vmem>>, vector<1x16xf32>,
      %swap3A_147 = vector.shape_cast %swap3A_146 : vector<1x16xf32> to vector<16xf32>
      %swap3A_148 = vector.shape_cast %scan3A_138#1 : vector<16xf32> to vector<1x16xf32>
      tpu.vector_store %arg7[%swap3A_144, %swap3A_145], %swap3A_148 {strides = array<i32>} : memref<128x64xf32, #tpu.memory_space<vmem>>, vector<1x16xf32>,
      %swap3A_149 = arith.index_cast %add3A_109 : i32 to index
      %swap3A_150 = arith.constant 32 : index
      %swap3A_151 = tpu.vector_load %arg7[%swap3A_149, %swap3A_150] {strides = array<i32>} : memref<128x64xf32, #tpu.memory_space<vmem>>, vector<1x16xf32>,
      %swap3A_152 = vector.shape_cast %swap3A_151 : vector<1x16xf32> to vector<16xf32>
      %swap3A_153 = vector.shape_cast %scan3A_138#2 : vector<16xf32> to vector<1x16xf32>
      tpu.vector_store %arg7[%swap3A_149, %swap3A_150], %swap3A_153 {strides = array<i32>} : memref<128x64xf32, #tpu.memory_space<vmem>>, vector<1x16xf32>,
      %swap3A_154 = arith.index_cast %add3A_109 : i32 to index
      %swap3A_155 = arith.constant 48 : index
      %swap3A_156 = tpu.vector_load %arg7[%swap3A_154, %swap3A_155] {strides = array<i32>} : memref<128x64xf32, #tpu.memory_space<vmem>>, vector<1x16xf32>,
      %swap3A_157 = vector.shape_cast %swap3A_156 : vector<1x16xf32> to vector<16xf32>
      %swap3A_158 = vector.shape_cast %scan3A_138#3 : vector<16xf32> to vector<1x16xf32>
      tpu.vector_store %arg7[%swap3A_154, %swap3A_155], %swap3A_158 {strides = array<i32>} : memref<128x64xf32, #tpu.memory_space<vmem>>, vector<1x16xf32>,
      %add3A_159 = arith.constant 4 : i32
      %add3A_160 = arith.addi %add3A_109, %add3A_159 : i32
      %lt3A = arith.constant 128 : i32
      %lt3A_161 = arith.cmpi slt, %add3A_160, %lt3A : i32
      %convert_element_type3A = arith.extui %lt3A_161 : i1 to i32
      %cond3A = arith.constant 0 : i32
      %cond3A_162 = arith.cmpi ne, %convert_element_type3A, %cond3A : i32
      scf.if %cond3A_162 {
        %add3A_352 = arith.constant 4 : i32
        %add3A_353 = arith.addi %add3A_109, %add3A_352 : i32
        %mul3A_354 = arith.constant 2 : i32
        %mul3A_355 = arith.muli %mul3A_354, %add3A_353 : i32
        %dma_start3A_356 = arith.constant 0 : i32
        %dma_start3A_357 = arith.constant 0 : i32
        %dma_start3A_358 = arith.constant 0 : i32
        %dma_start3A_359 = tpu.memref_slice %arg6[%dma_start3A_356, %dma_start3A_357, %dma_start3A_358] : memref<4x200x64xf32, #tpu.memory_space<vmem>> -> memref<1x100x64xf32, #tpu.memory_space<vmem>>
        %dma_start3A_360 = tpu.memref_squeeze %dma_start3A_359 : memref<1x100x64xf32, #tpu.memory_space<vmem>> -> memref<100x64xf32, #tpu.memory_space<vmem>>
        %dma_start3A_361 = arith.constant 0 : i32
        %dma_start3A_362 = tpu.memref_slice %arg5[%mul3A_355, %dma_start3A_361] : memref<256x100xi32, #tpu.memory_space<vmem>> -> memref<1x100xi32, #tpu.memory_space<vmem>>
        %dma_start3A_363 = tpu.memref_squeeze %dma_start3A_362 : memref<1x100xi32, #tpu.memory_space<vmem>> -> memref<100xi32, #tpu.memory_space<vmem>>
        %dma_start3A_364 = arith.constant 0 : i32
        %dma_start3A_365 = arith.constant 0 : i32
        %dma_start3A_366 = tpu.memref_slice %arg3[%dma_start3A_364, %dma_start3A_365] : memref<1015808x64xf32, #tpu.memory_space<hbm>> -> memref<1015808x64xf32, #tpu.memory_space<hbm>>
        tpu.enqueue_indirect_dma source(%dma_start3A_366 : memref<1015808x64xf32, #tpu.memory_space<hbm>>) target(%dma_start3A_360 : memref<100x64xf32, #tpu.memory_space<vmem>>) offsets(%dma_start3A_363 : memref<100xi32, #tpu.memory_space<vmem>>) semaphore(%arg8 : memref<!tpu.dma_semaphore, #tpu.memory_space<semaphore_mem>>)
        %mul3A_367 = arith.constant 2 : i32
        %mul3A_368 = arith.muli %mul3A_367, %add3A_353 : i32
        %add3A_369 = arith.constant 1 : i32
        %add3A_370 = arith.addi %mul3A_368, %add3A_369 : i32
        %dma_start3A_371 = arith.constant 0 : i32
        %dma_start3A_372 = arith.constant 100 : i32
        %dma_start3A_373 = arith.constant 0 : i32
        %dma_start3A_374 = tpu.memref_slice %arg6[%dma_start3A_371, %dma_start3A_372, %dma_start3A_373] : memref<4x200x64xf32, #tpu.memory_space<vmem>> -> memref<1x100x64xf32, #tpu.memory_space<vmem>>
        %dma_start3A_375 = tpu.memref_squeeze %dma_start3A_374 : memref<1x100x64xf32, #tpu.memory_space<vmem>> -> memref<100x64xf32, #tpu.memory_space<vmem>>
        %dma_start3A_376 = arith.constant 0 : i32
        %dma_start3A_377 = tpu.memref_slice %arg5[%add3A_370, %dma_start3A_376] : memref<256x100xi32, #tpu.memory_space<vmem>> -> memref<1x100xi32, #tpu.memory_space<vmem>>
        %dma_start3A_378 = tpu.memref_squeeze %dma_start3A_377 : memref<1x100xi32, #tpu.memory_space<vmem>> -> memref<100xi32, #tpu.memory_space<vmem>>
        %dma_start3A_379 = arith.constant 0 : i32
        %dma_start3A_380 = arith.constant 0 : i32
        %dma_start3A_381 = tpu.memref_slice %arg3[%dma_start3A_379, %dma_start3A_380] : memref<1015808x64xf32, #tpu.memory_space<hbm>> -> memref<1015808x64xf32, #tpu.memory_space<hbm>>
        tpu.enqueue_indirect_dma source(%dma_start3A_381 : memref<1015808x64xf32, #tpu.memory_space<hbm>>) target(%dma_start3A_375 : memref<100x64xf32, #tpu.memory_space<vmem>>) offsets(%dma_start3A_378 : memref<100xi32, #tpu.memory_space<vmem>>) semaphore(%arg8 : memref<!tpu.dma_semaphore, #tpu.memory_space<semaphore_mem>>)
      } else {
      }
      %mul3A_163 = arith.constant 4 : i32
      %mul3A_164 = arith.muli %mul3A_163, %scan3A_105 : i32
      %add3A_165 = arith.constant 1 : i32
      %add3A_166 = arith.addi %mul3A_164, %add3A_165 : i32
      %dma_wait3A_167 = arith.constant 0 : i32
      %dma_wait3A_168 = arith.constant 1 : i32
      %dma_wait3A_169 = arith.constant 0 : i32
      %dma_wait3A_170 = arith.constant 0 : i32
      %dma_wait3A_171 = tpu.memref_slice %arg6[%dma_wait3A_168, %dma_wait3A_169, %dma_wait3A_170] : memref<4x200x64xf32, #tpu.memory_space<vmem>> -> memref<1x100x64xf32, #tpu.memory_space<vmem>>
      %dma_wait3A_172 = tpu.memref_squeeze %dma_wait3A_171 : memref<1x100x64xf32, #tpu.memory_space<vmem>> -> memref<100x64xf32, #tpu.memory_space<vmem>>
      %dma_wait3A_173 = arith.constant 0 : i32
      %dma_wait3A_174 = tpu.memref_slice %arg5[%dma_wait3A_167, %dma_wait3A_173] : memref<256x100xi32, #tpu.memory_space<vmem>> -> memref<1x100xi32, #tpu.memory_space<vmem>>
      %dma_wait3A_175 = tpu.memref_squeeze %dma_wait3A_174 : memref<1x100xi32, #tpu.memory_space<vmem>> -> memref<100xi32, #tpu.memory_space<vmem>>
      %dma_wait3A_176 = arith.constant 0 : i32
      %dma_wait3A_177 = arith.constant 0 : i32
      %dma_wait3A_178 = tpu.memref_slice %arg3[%dma_wait3A_176, %dma_wait3A_177] : memref<1015808x64xf32, #tpu.memory_space<hbm>> -> memref<1015808x64xf32, #tpu.memory_space<hbm>>
      tpu.wait_indirect_dma semaphore(%arg9 : memref<!tpu.dma_semaphore, #tpu.memory_space<semaphore_mem>>) src(%dma_wait3A_178 : memref<1015808x64xf32, #tpu.memory_space<hbm>>) dst(%dma_wait3A_172 : memref<100x64xf32, #tpu.memory_space<vmem>>)
      %dma_wait3A_179 = arith.constant 0 : i32
      %dma_wait3A_180 = arith.constant 1 : i32
      %dma_wait3A_181 = arith.constant 100 : i32
      %dma_wait3A_182 = arith.constant 0 : i32
      %dma_wait3A_183 = tpu.memref_slice %arg6[%dma_wait3A_180, %dma_wait3A_181, %dma_wait3A_182] : memref<4x200x64xf32, #tpu.memory_space<vmem>> -> memref<1x100x64xf32, #tpu.memory_space<vmem>>
      %dma_wait3A_184 = tpu.memref_squeeze %dma_wait3A_183 : memref<1x100x64xf32, #tpu.memory_space<vmem>> -> memref<100x64xf32, #tpu.memory_space<vmem>>
      %dma_wait3A_185 = arith.constant 0 : i32
      %dma_wait3A_186 = tpu.memref_slice %arg5[%dma_wait3A_179, %dma_wait3A_185] : memref<256x100xi32, #tpu.memory_space<vmem>> -> memref<1x100xi32, #tpu.memory_space<vmem>>
      %dma_wait3A_187 = tpu.memref_squeeze %dma_wait3A_186 : memref<1x100xi32, #tpu.memory_space<vmem>> -> memref<100xi32, #tpu.memory_space<vmem>>
      %dma_wait3A_188 = arith.constant 0 : i32
      %dma_wait3A_189 = arith.constant 0 : i32
      %dma_wait3A_190 = tpu.memref_slice %arg3[%dma_wait3A_188, %dma_wait3A_189] : memref<1015808x64xf32, #tpu.memory_space<hbm>> -> memref<1015808x64xf32, #tpu.memory_space<hbm>>
      tpu.wait_indirect_dma semaphore(%arg9 : memref<!tpu.dma_semaphore, #tpu.memory_space<semaphore_mem>>) src(%dma_wait3A_190 : memref<1015808x64xf32, #tpu.memory_space<hbm>>) dst(%dma_wait3A_184 : memref<100x64xf32, #tpu.memory_space<vmem>>)
      %broadcast_in_dim3A_191 = arith.constant 0.000000e+00 : f32
      %broadcast_in_dim3A_192 = vector.broadcast %broadcast_in_dim3A_191 : f32 to vector<16xf32>
      %scan3A_193 = arith.constant 0 : i32
      %scan3A_194 = arith.constant 200 : i32
      %scan3A_195 = arith.addi %scan3A_193, %scan3A_194 : i32
      %scan3A_196 = arith.constant 8 : i32
      %scan3A_197:4 = scf.for %scan3A_352 = %scan3A_193 to %scan3A_195 step %scan3A_196 iter_args(%scan3A_353 = %broadcast_in_dim3A_192, %scan3A_354 = %broadcast_in_dim3A_192, %scan3A_355 = %broadcast_in_dim3A_192, %scan3A_356 = %broadcast_in_dim3A_192) -> (vector<16xf32>, vector<16xf32>, vector<16xf32>, vector<16xf32>)  : i32 {
        %get3A = arith.constant 1 : i32
        %get3A_357 = arith.index_cast %get3A : i32 to index
        %get3A_358 = arith.index_cast %scan3A_352 : i32 to index
        %get3A_359 = arith.constant 0 : index
        %get3A_360 = tpu.vector_load %arg6[%get3A_357, %get3A_358, %get3A_359] {strides = array<i32>} : memref<4x200x64xf32, #tpu.memory_space<vmem>>, vector<1x1x16xf32>,
        %get3A_361 = vector.shape_cast %get3A_360 : vector<1x1x16xf32> to vector<16xf32>
        %add3A_362 = arith.addf %scan3A_353, %get3A_361 : vector<16xf32>
        %get3A_363 = arith.constant 1 : i32
        %get3A_364 = arith.index_cast %get3A_363 : i32 to index
        %get3A_365 = arith.index_cast %scan3A_352 : i32 to index
        %get3A_366 = arith.constant 16 : index
        %get3A_367 = tpu.vector_load %arg6[%get3A_364, %get3A_365, %get3A_366] {strides = array<i32>} : memref<4x200x64xf32, #tpu.memory_space<vmem>>, vector<1x1x16xf32>,
        %get3A_368 = vector.shape_cast %get3A_367 : vector<1x1x16xf32> to vector<16xf32>
        %add3A_369 = arith.addf %scan3A_354, %get3A_368 : vector<16xf32>
        %get3A_370 = arith.constant 1 : i32
        %get3A_371 = arith.index_cast %get3A_370 : i32 to index
        %get3A_372 = arith.index_cast %scan3A_352 : i32 to index
        %get3A_373 = arith.constant 32 : index
        %get3A_374 = tpu.vector_load %arg6[%get3A_371, %get3A_372, %get3A_373] {strides = array<i32>} : memref<4x200x64xf32, #tpu.memory_space<vmem>>, vector<1x1x16xf32>,
        %get3A_375 = vector.shape_cast %get3A_374 : vector<1x1x16xf32> to vector<16xf32>
        %add3A_376 = arith.addf %scan3A_355, %get3A_375 : vector<16xf32>
        %get3A_377 = arith.constant 1 : i32
        %get3A_378 = arith.index_cast %get3A_377 : i32 to index
        %get3A_379 = arith.index_cast %scan3A_352 : i32 to index
        %get3A_380 = arith.constant 48 : index
        %get3A_381 = tpu.vector_load %arg6[%get3A_378, %get3A_379, %get3A_380] {strides = array<i32>} : memref<4x200x64xf32, #tpu.memory_space<vmem>>, vector<1x1x16xf32>,
        %get3A_382 = vector.shape_cast %get3A_381 : vector<1x1x16xf32> to vector<16xf32>
        %add3A_383 = arith.addf %scan3A_356, %get3A_382 : vector<16xf32>
        %scan3A_384 = arith.constant 1 : i32
        %scan3A_385 = arith.addi %scan3A_352, %scan3A_384 : i32
        %get3A_386 = arith.constant 1 : i32
        %get3A_387 = arith.index_cast %get3A_386 : i32 to index
        %get3A_388 = arith.index_cast %scan3A_385 : i32 to index
        %get3A_389 = arith.constant 0 : index
        %get3A_390 = tpu.vector_load %arg6[%get3A_387, %get3A_388, %get3A_389] {strides = array<i32>} : memref<4x200x64xf32, #tpu.memory_space<vmem>>, vector<1x1x16xf32>,
        %get3A_391 = vector.shape_cast %get3A_390 : vector<1x1x16xf32> to vector<16xf32>
        %add3A_392 = arith.addf %add3A_362, %get3A_391 : vector<16xf32>
        %get3A_393 = arith.constant 1 : i32
        %get3A_394 = arith.index_cast %get3A_393 : i32 to index
        %get3A_395 = arith.index_cast %scan3A_385 : i32 to index
        %get3A_396 = arith.constant 16 : index
        %get3A_397 = tpu.vector_load %arg6[%get3A_394, %get3A_395, %get3A_396] {strides = array<i32>} : memref<4x200x64xf32, #tpu.memory_space<vmem>>, vector<1x1x16xf32>,
        %get3A_398 = vector.shape_cast %get3A_397 : vector<1x1x16xf32> to vector<16xf32>
        %add3A_399 = arith.addf %add3A_369, %get3A_398 : vector<16xf32>
        %get3A_400 = arith.constant 1 : i32
        %get3A_401 = arith.index_cast %get3A_400 : i32 to index
        %get3A_402 = arith.index_cast %scan3A_385 : i32 to index
        %get3A_403 = arith.constant 32 : index
        %get3A_404 = tpu.vector_load %arg6[%get3A_401, %get3A_402, %get3A_403] {strides = array<i32>} : memref<4x200x64xf32, #tpu.memory_space<vmem>>, vector<1x1x16xf32>,
        %get3A_405 = vector.shape_cast %get3A_404 : vector<1x1x16xf32> to vector<16xf32>
        %add3A_406 = arith.addf %add3A_376, %get3A_405 : vector<16xf32>
        %get3A_407 = arith.constant 1 : i32
        %get3A_408 = arith.index_cast %get3A_407 : i32 to index
        %get3A_409 = arith.index_cast %scan3A_385 : i32 to index
        %get3A_410 = arith.constant 48 : index
        %get3A_411 = tpu.vector_load %arg6[%get3A_408, %get3A_409, %get3A_410] {strides = array<i32>} : memref<4x200x64xf32, #tpu.memory_space<vmem>>, vector<1x1x16xf32>,
        %get3A_412 = vector.shape_cast %get3A_411 : vector<1x1x16xf32> to vector<16xf32>
        %add3A_413 = arith.addf %add3A_383, %get3A_412 : vector<16xf32>
        %scan3A_414 = arith.constant 2 : i32
        %scan3A_415 = arith.addi %scan3A_352, %scan3A_414 : i32
        %get3A_416 = arith.constant 1 : i32
        %get3A_417 = arith.index_cast %get3A_416 : i32 to index
        %get3A_418 = arith.index_cast %scan3A_415 : i32 to index
        %get3A_419 = arith.constant 0 : index
        %get3A_420 = tpu.vector_load %arg6[%get3A_417, %get3A_418, %get3A_419] {strides = array<i32>} : memref<4x200x64xf32, #tpu.memory_space<vmem>>, vector<1x1x16xf32>,
        %get3A_421 = vector.shape_cast %get3A_420 : vector<1x1x16xf32> to vector<16xf32>
        %add3A_422 = arith.addf %add3A_392, %get3A_421 : vector<16xf32>
        %get3A_423 = arith.constant 1 : i32
        %get3A_424 = arith.index_cast %get3A_423 : i32 to index
        %get3A_425 = arith.index_cast %scan3A_415 : i32 to index
        %get3A_426 = arith.constant 16 : index
        %get3A_427 = tpu.vector_load %arg6[%get3A_424, %get3A_425, %get3A_426] {strides = array<i32>} : memref<4x200x64xf32, #tpu.memory_space<vmem>>, vector<1x1x16xf32>,
        %get3A_428 = vector.shape_cast %get3A_427 : vector<1x1x16xf32> to vector<16xf32>
        %add3A_429 = arith.addf %add3A_399, %get3A_428 : vector<16xf32>
        %get3A_430 = arith.constant 1 : i32
        %get3A_431 = arith.index_cast %get3A_430 : i32 to index
        %get3A_432 = arith.index_cast %scan3A_415 : i32 to index
        %get3A_433 = arith.constant 32 : index
        %get3A_434 = tpu.vector_load %arg6[%get3A_431, %get3A_432, %get3A_433] {strides = array<i32>} : memref<4x200x64xf32, #tpu.memory_space<vmem>>, vector<1x1x16xf32>,
        %get3A_435 = vector.shape_cast %get3A_434 : vector<1x1x16xf32> to vector<16xf32>
        %add3A_436 = arith.addf %add3A_406, %get3A_435 : vector<16xf32>
        %get3A_437 = arith.constant 1 : i32
        %get3A_438 = arith.index_cast %get3A_437 : i32 to index
        %get3A_439 = arith.index_cast %scan3A_415 : i32 to index
        %get3A_440 = arith.constant 48 : index
        %get3A_441 = tpu.vector_load %arg6[%get3A_438, %get3A_439, %get3A_440] {strides = array<i32>} : memref<4x200x64xf32, #tpu.memory_space<vmem>>, vector<1x1x16xf32>,
        %get3A_442 = vector.shape_cast %get3A_441 : vector<1x1x16xf32> to vector<16xf32>
        %add3A_443 = arith.addf %add3A_413, %get3A_442 : vector<16xf32>
        %scan3A_444 = arith.constant 3 : i32
        %scan3A_445 = arith.addi %scan3A_352, %scan3A_444 : i32
        %get3A_446 = arith.constant 1 : i32
        %get3A_447 = arith.index_cast %get3A_446 : i32 to index
        %get3A_448 = arith.index_cast %scan3A_445 : i32 to index
        %get3A_449 = arith.constant 0 : index
        %get3A_450 = tpu.vector_load %arg6[%get3A_447, %get3A_448, %get3A_449] {strides = array<i32>} : memref<4x200x64xf32, #tpu.memory_space<vmem>>, vector<1x1x16xf32>,
        %get3A_451 = vector.shape_cast %get3A_450 : vector<1x1x16xf32> to vector<16xf32>
        %add3A_452 = arith.addf %add3A_422, %get3A_451 : vector<16xf32>
        %get3A_453 = arith.constant 1 : i32
        %get3A_454 = arith.index_cast %get3A_453 : i32 to index
        %get3A_455 = arith.index_cast %scan3A_445 : i32 to index
        %get3A_456 = arith.constant 16 : index
        %get3A_457 = tpu.vector_load %arg6[%get3A_454, %get3A_455, %get3A_456] {strides = array<i32>} : memref<4x200x64xf32, #tpu.memory_space<vmem>>, vector<1x1x16xf32>,
        %get3A_458 = vector.shape_cast %get3A_457 : vector<1x1x16xf32> to vector<16xf32>
        %add3A_459 = arith.addf %add3A_429, %get3A_458 : vector<16xf32>
        %get3A_460 = arith.constant 1 : i32
        %get3A_461 = arith.index_cast %get3A_460 : i32 to index
        %get3A_462 = arith.index_cast %scan3A_445 : i32 to index
        %get3A_463 = arith.constant 32 : index
        %get3A_464 = tpu.vector_load %arg6[%get3A_461, %get3A_462, %get3A_463] {strides = array<i32>} : memref<4x200x64xf32, #tpu.memory_space<vmem>>, vector<1x1x16xf32>,
        %get3A_465 = vector.shape_cast %get3A_464 : vector<1x1x16xf32> to vector<16xf32>
        %add3A_466 = arith.addf %add3A_436, %get3A_465 : vector<16xf32>
        %get3A_467 = arith.constant 1 : i32
        %get3A_468 = arith.index_cast %get3A_467 : i32 to index
        %get3A_469 = arith.index_cast %scan3A_445 : i32 to index
        %get3A_470 = arith.constant 48 : index
        %get3A_471 = tpu.vector_load %arg6[%get3A_468, %get3A_469, %get3A_470] {strides = array<i32>} : memref<4x200x64xf32, #tpu.memory_space<vmem>>, vector<1x1x16xf32>,
        %get3A_472 = vector.shape_cast %get3A_471 : vector<1x1x16xf32> to vector<16xf32>
        %add3A_473 = arith.addf %add3A_443, %get3A_472 : vector<16xf32>
        %scan3A_474 = arith.constant 4 : i32
        %scan3A_475 = arith.addi %scan3A_352, %scan3A_474 : i32
        %get3A_476 = arith.constant 1 : i32
        %get3A_477 = arith.index_cast %get3A_476 : i32 to index
        %get3A_478 = arith.index_cast %scan3A_475 : i32 to index
        %get3A_479 = arith.constant 0 : index
        %get3A_480 = tpu.vector_load %arg6[%get3A_477, %get3A_478, %get3A_479] {strides = array<i32>} : memref<4x200x64xf32, #tpu.memory_space<vmem>>, vector<1x1x16xf32>,
        %get3A_481 = vector.shape_cast %get3A_480 : vector<1x1x16xf32> to vector<16xf32>
        %add3A_482 = arith.addf %add3A_452, %get3A_481 : vector<16xf32>
        %get3A_483 = arith.constant 1 : i32
        %get3A_484 = arith.index_cast %get3A_483 : i32 to index
        %get3A_485 = arith.index_cast %scan3A_475 : i32 to index
        %get3A_486 = arith.constant 16 : index
        %get3A_487 = tpu.vector_load %arg6[%get3A_484, %get3A_485, %get3A_486] {strides = array<i32>} : memref<4x200x64xf32, #tpu.memory_space<vmem>>, vector<1x1x16xf32>,
        %get3A_488 = vector.shape_cast %get3A_487 : vector<1x1x16xf32> to vector<16xf32>
        %add3A_489 = arith.addf %add3A_459, %get3A_488 : vector<16xf32>
        %get3A_490 = arith.constant 1 : i32
        %get3A_491 = arith.index_cast %get3A_490 : i32 to index
        %get3A_492 = arith.index_cast %scan3A_475 : i32 to index
        %get3A_493 = arith.constant 32 : index
        %get3A_494 = tpu.vector_load %arg6[%get3A_491, %get3A_492, %get3A_493] {strides = array<i32>} : memref<4x200x64xf32, #tpu.memory_space<vmem>>, vector<1x1x16xf32>,
        %get3A_495 = vector.shape_cast %get3A_494 : vector<1x1x16xf32> to vector<16xf32>
        %add3A_496 = arith.addf %add3A_466, %get3A_495 : vector<16xf32>
        %get3A_497 = arith.constant 1 : i32
        %get3A_498 = arith.index_cast %get3A_497 : i32 to index
        %get3A_499 = arith.index_cast %scan3A_475 : i32 to index
        %get3A_500 = arith.constant 48 : index
        %get3A_501 = tpu.vector_load %arg6[%get3A_498, %get3A_499, %get3A_500] {strides = array<i32>} : memref<4x200x64xf32, #tpu.memory_space<vmem>>, vector<1x1x16xf32>,
        %get3A_502 = vector.shape_cast %get3A_501 : vector<1x1x16xf32> to vector<16xf32>
        %add3A_503 = arith.addf %add3A_473, %get3A_502 : vector<16xf32>
        %scan3A_504 = arith.constant 5 : i32
        %scan3A_505 = arith.addi %scan3A_352, %scan3A_504 : i32
        %get3A_506 = arith.constant 1 : i32
        %get3A_507 = arith.index_cast %get3A_506 : i32 to index
        %get3A_508 = arith.index_cast %scan3A_505 : i32 to index
        %get3A_509 = arith.constant 0 : index
        %get3A_510 = tpu.vector_load %arg6[%get3A_507, %get3A_508, %get3A_509] {strides = array<i32>} : memref<4x200x64xf32, #tpu.memory_space<vmem>>, vector<1x1x16xf32>,
        %get3A_511 = vector.shape_cast %get3A_510 : vector<1x1x16xf32> to vector<16xf32>
        %add3A_512 = arith.addf %add3A_482, %get3A_511 : vector<16xf32>
        %get3A_513 = arith.constant 1 : i32
        %get3A_514 = arith.index_cast %get3A_513 : i32 to index
        %get3A_515 = arith.index_cast %scan3A_505 : i32 to index
        %get3A_516 = arith.constant 16 : index
        %get3A_517 = tpu.vector_load %arg6[%get3A_514, %get3A_515, %get3A_516] {strides = array<i32>} : memref<4x200x64xf32, #tpu.memory_space<vmem>>, vector<1x1x16xf32>,
        %get3A_518 = vector.shape_cast %get3A_517 : vector<1x1x16xf32> to vector<16xf32>
        %add3A_519 = arith.addf %add3A_489, %get3A_518 : vector<16xf32>
        %get3A_520 = arith.constant 1 : i32
        %get3A_521 = arith.index_cast %get3A_520 : i32 to index
        %get3A_522 = arith.index_cast %scan3A_505 : i32 to index
        %get3A_523 = arith.constant 32 : index
        %get3A_524 = tpu.vector_load %arg6[%get3A_521, %get3A_522, %get3A_523] {strides = array<i32>} : memref<4x200x64xf32, #tpu.memory_space<vmem>>, vector<1x1x16xf32>,
        %get3A_525 = vector.shape_cast %get3A_524 : vector<1x1x16xf32> to vector<16xf32>
        %add3A_526 = arith.addf %add3A_496, %get3A_525 : vector<16xf32>
        %get3A_527 = arith.constant 1 : i32
        %get3A_528 = arith.index_cast %get3A_527 : i32 to index
        %get3A_529 = arith.index_cast %scan3A_505 : i32 to index
        %get3A_530 = arith.constant 48 : index
        %get3A_531 = tpu.vector_load %arg6[%get3A_528, %get3A_529, %get3A_530] {strides = array<i32>} : memref<4x200x64xf32, #tpu.memory_space<vmem>>, vector<1x1x16xf32>,
        %get3A_532 = vector.shape_cast %get3A_531 : vector<1x1x16xf32> to vector<16xf32>
        %add3A_533 = arith.addf %add3A_503, %get3A_532 : vector<16xf32>
        %scan3A_534 = arith.constant 6 : i32
        %scan3A_535 = arith.addi %scan3A_352, %scan3A_534 : i32
        %get3A_536 = arith.constant 1 : i32
        %get3A_537 = arith.index_cast %get3A_536 : i32 to index
        %get3A_538 = arith.index_cast %scan3A_535 : i32 to index
        %get3A_539 = arith.constant 0 : index
        %get3A_540 = tpu.vector_load %arg6[%get3A_537, %get3A_538, %get3A_539] {strides = array<i32>} : memref<4x200x64xf32, #tpu.memory_space<vmem>>, vector<1x1x16xf32>,
        %get3A_541 = vector.shape_cast %get3A_540 : vector<1x1x16xf32> to vector<16xf32>
        %add3A_542 = arith.addf %add3A_512, %get3A_541 : vector<16xf32>
        %get3A_543 = arith.constant 1 : i32
        %get3A_544 = arith.index_cast %get3A_543 : i32 to index
        %get3A_545 = arith.index_cast %scan3A_535 : i32 to index
        %get3A_546 = arith.constant 16 : index
        %get3A_547 = tpu.vector_load %arg6[%get3A_544, %get3A_545, %get3A_546] {strides = array<i32>} : memref<4x200x64xf32, #tpu.memory_space<vmem>>, vector<1x1x16xf32>,
        %get3A_548 = vector.shape_cast %get3A_547 : vector<1x1x16xf32> to vector<16xf32>
        %add3A_549 = arith.addf %add3A_519, %get3A_548 : vector<16xf32>
        %get3A_550 = arith.constant 1 : i32
        %get3A_551 = arith.index_cast %get3A_550 : i32 to index
        %get3A_552 = arith.index_cast %scan3A_535 : i32 to index
        %get3A_553 = arith.constant 32 : index
        %get3A_554 = tpu.vector_load %arg6[%get3A_551, %get3A_552, %get3A_553] {strides = array<i32>} : memref<4x200x64xf32, #tpu.memory_space<vmem>>, vector<1x1x16xf32>,
        %get3A_555 = vector.shape_cast %get3A_554 : vector<1x1x16xf32> to vector<16xf32>
        %add3A_556 = arith.addf %add3A_526, %get3A_555 : vector<16xf32>
        %get3A_557 = arith.constant 1 : i32
        %get3A_558 = arith.index_cast %get3A_557 : i32 to index
        %get3A_559 = arith.index_cast %scan3A_535 : i32 to index
        %get3A_560 = arith.constant 48 : index
        %get3A_561 = tpu.vector_load %arg6[%get3A_558, %get3A_559, %get3A_560] {strides = array<i32>} : memref<4x200x64xf32, #tpu.memory_space<vmem>>, vector<1x1x16xf32>,
        %get3A_562 = vector.shape_cast %get3A_561 : vector<1x1x16xf32> to vector<16xf32>
        %add3A_563 = arith.addf %add3A_533, %get3A_562 : vector<16xf32>
        %scan3A_564 = arith.constant 7 : i32
        %scan3A_565 = arith.addi %scan3A_352, %scan3A_564 : i32
        %get3A_566 = arith.constant 1 : i32
        %get3A_567 = arith.index_cast %get3A_566 : i32 to index
        %get3A_568 = arith.index_cast %scan3A_565 : i32 to index
        %get3A_569 = arith.constant 0 : index
        %get3A_570 = tpu.vector_load %arg6[%get3A_567, %get3A_568, %get3A_569] {strides = array<i32>} : memref<4x200x64xf32, #tpu.memory_space<vmem>>, vector<1x1x16xf32>,
        %get3A_571 = vector.shape_cast %get3A_570 : vector<1x1x16xf32> to vector<16xf32>
        %add3A_572 = arith.addf %add3A_542, %get3A_571 : vector<16xf32>
        %get3A_573 = arith.constant 1 : i32
        %get3A_574 = arith.index_cast %get3A_573 : i32 to index
        %get3A_575 = arith.index_cast %scan3A_565 : i32 to index
        %get3A_576 = arith.constant 16 : index
        %get3A_577 = tpu.vector_load %arg6[%get3A_574, %get3A_575, %get3A_576] {strides = array<i32>} : memref<4x200x64xf32, #tpu.memory_space<vmem>>, vector<1x1x16xf32>,
        %get3A_578 = vector.shape_cast %get3A_577 : vector<1x1x16xf32> to vector<16xf32>
        %add3A_579 = arith.addf %add3A_549, %get3A_578 : vector<16xf32>
        %get3A_580 = arith.constant 1 : i32
        %get3A_581 = arith.index_cast %get3A_580 : i32 to index
        %get3A_582 = arith.index_cast %scan3A_565 : i32 to index
        %get3A_583 = arith.constant 32 : index
        %get3A_584 = tpu.vector_load %arg6[%get3A_581, %get3A_582, %get3A_583] {strides = array<i32>} : memref<4x200x64xf32, #tpu.memory_space<vmem>>, vector<1x1x16xf32>,
        %get3A_585 = vector.shape_cast %get3A_584 : vector<1x1x16xf32> to vector<16xf32>
        %add3A_586 = arith.addf %add3A_556, %get3A_585 : vector<16xf32>
        %get3A_587 = arith.constant 1 : i32
        %get3A_588 = arith.index_cast %get3A_587 : i32 to index
        %get3A_589 = arith.index_cast %scan3A_565 : i32 to index
        %get3A_590 = arith.constant 48 : index
        %get3A_591 = tpu.vector_load %arg6[%get3A_588, %get3A_589, %get3A_590] {strides = array<i32>} : memref<4x200x64xf32, #tpu.memory_space<vmem>>, vector<1x1x16xf32>,
        %get3A_592 = vector.shape_cast %get3A_591 : vector<1x1x16xf32> to vector<16xf32>
        %add3A_593 = arith.addf %add3A_563, %get3A_592 : vector<16xf32>
        scf.yield %add3A_572, %add3A_579, %add3A_586, %add3A_593 : vector<16xf32>, vector<16xf32>, vector<16xf32>, vector<16xf32>
      }
      %scan3A_198 = arith.constant 200 : i32
      %swap3A_199 = arith.index_cast %add3A_166 : i32 to index
      %swap3A_200 = arith.constant 0 : index
      %swap3A_201 = tpu.vector_load %arg7[%swap3A_199, %swap3A_200] {strides = array<i32>} : memref<128x64xf32, #tpu.memory_space<vmem>>, vector<1x16xf32>,
      %swap3A_202 = vector.shape_cast %swap3A_201 : vector<1x16xf32> to vector<16xf32>
      %swap3A_203 = vector.shape_cast %scan3A_197#0 : vector<16xf32> to vector<1x16xf32>
      tpu.vector_store %arg7[%swap3A_199, %swap3A_200], %swap3A_203 {strides = array<i32>} : memref<128x64xf32, #tpu.memory_space<vmem>>, vector<1x16xf32>,
      %swap3A_204 = arith.index_cast %add3A_166 : i32 to index
      %swap3A_205 = arith.constant 16 : index
      %swap3A_206 = tpu.vector_load %arg7[%swap3A_204, %swap3A_205] {strides = array<i32>} : memref<128x64xf32, #tpu.memory_space<vmem>>, vector<1x16xf32>,
      %swap3A_207 = vector.shape_cast %swap3A_206 : vector<1x16xf32> to vector<16xf32>
      %swap3A_208 = vector.shape_cast %scan3A_197#1 : vector<16xf32> to vector<1x16xf32>
      tpu.vector_store %arg7[%swap3A_204, %swap3A_205], %swap3A_208 {strides = array<i32>} : memref<128x64xf32, #tpu.memory_space<vmem>>, vector<1x16xf32>,
      %swap3A_209 = arith.index_cast %add3A_166 : i32 to index
      %swap3A_210 = arith.constant 32 : index
      %swap3A_211 = tpu.vector_load %arg7[%swap3A_209, %swap3A_210] {strides = array<i32>} : memref<128x64xf32, #tpu.memory_space<vmem>>, vector<1x16xf32>,
      %swap3A_212 = vector.shape_cast %swap3A_211 : vector<1x16xf32> to vector<16xf32>
      %swap3A_213 = vector.shape_cast %scan3A_197#2 : vector<16xf32> to vector<1x16xf32>
      tpu.vector_store %arg7[%swap3A_209, %swap3A_210], %swap3A_213 {strides = array<i32>} : memref<128x64xf32, #tpu.memory_space<vmem>>, vector<1x16xf32>,
      %swap3A_214 = arith.index_cast %add3A_166 : i32 to index
      %swap3A_215 = arith.constant 48 : index
      %swap3A_216 = tpu.vector_load %arg7[%swap3A_214, %swap3A_215] {strides = array<i32>} : memref<128x64xf32, #tpu.memory_space<vmem>>, vector<1x16xf32>,
      %swap3A_217 = vector.shape_cast %swap3A_216 : vector<1x16xf32> to vector<16xf32>
      %swap3A_218 = vector.shape_cast %scan3A_197#3 : vector<16xf32> to vector<1x16xf32>
      tpu.vector_store %arg7[%swap3A_214, %swap3A_215], %swap3A_218 {strides = array<i32>} : memref<128x64xf32, #tpu.memory_space<vmem>>, vector<1x16xf32>,
      %add3A_219 = arith.constant 4 : i32
      %add3A_220 = arith.addi %add3A_166, %add3A_219 : i32
      %lt3A_221 = arith.constant 128 : i32
      %lt3A_222 = arith.cmpi slt, %add3A_220, %lt3A_221 : i32
      %convert_element_type3A_223 = arith.extui %lt3A_222 : i1 to i32
      %cond3A_224 = arith.constant 0 : i32
      %cond3A_225 = arith.cmpi ne, %convert_element_type3A_223, %cond3A_224 : i32
      scf.if %cond3A_225 {
        %add3A_352 = arith.constant 4 : i32
        %add3A_353 = arith.addi %add3A_166, %add3A_352 : i32
        %mul3A_354 = arith.constant 2 : i32
        %mul3A_355 = arith.muli %mul3A_354, %add3A_353 : i32
        %dma_start3A_356 = arith.constant 1 : i32
        %dma_start3A_357 = arith.constant 0 : i32
        %dma_start3A_358 = arith.constant 0 : i32
        %dma_start3A_359 = tpu.memref_slice %arg6[%dma_start3A_356, %dma_start3A_357, %dma_start3A_358] : memref<4x200x64xf32, #tpu.memory_space<vmem>> -> memref<1x100x64xf32, #tpu.memory_space<vmem>>
        %dma_start3A_360 = tpu.memref_squeeze %dma_start3A_359 : memref<1x100x64xf32, #tpu.memory_space<vmem>> -> memref<100x64xf32, #tpu.memory_space<vmem>>
        %dma_start3A_361 = arith.constant 0 : i32
        %dma_start3A_362 = tpu.memref_slice %arg5[%mul3A_355, %dma_start3A_361] : memref<256x100xi32, #tpu.memory_space<vmem>> -> memref<1x100xi32, #tpu.memory_space<vmem>>
        %dma_start3A_363 = tpu.memref_squeeze %dma_start3A_362 : memref<1x100xi32, #tpu.memory_space<vmem>> -> memref<100xi32, #tpu.memory_space<vmem>>
        %dma_start3A_364 = arith.constant 0 : i32
        %dma_start3A_365 = arith.constant 0 : i32
        %dma_start3A_366 = tpu.memref_slice %arg3[%dma_start3A_364, %dma_start3A_365] : memref<1015808x64xf32, #tpu.memory_space<hbm>> -> memref<1015808x64xf32, #tpu.memory_space<hbm>>
        tpu.enqueue_indirect_dma source(%dma_start3A_366 : memref<1015808x64xf32, #tpu.memory_space<hbm>>) target(%dma_start3A_360 : memref<100x64xf32, #tpu.memory_space<vmem>>) offsets(%dma_start3A_363 : memref<100xi32, #tpu.memory_space<vmem>>) semaphore(%arg9 : memref<!tpu.dma_semaphore, #tpu.memory_space<semaphore_mem>>)
        %mul3A_367 = arith.constant 2 : i32
        %mul3A_368 = arith.muli %mul3A_367, %add3A_353 : i32
        %add3A_369 = arith.constant 1 : i32
        %add3A_370 = arith.addi %mul3A_368, %add3A_369 : i32
        %dma_start3A_371 = arith.constant 1 : i32
        %dma_start3A_372 = arith.constant 100 : i32
        %dma_start3A_373 = arith.constant 0 : i32
        %dma_start3A_374 = tpu.memref_slice %arg6[%dma_start3A_371, %dma_start3A_372, %dma_start3A_373] : memref<4x200x64xf32, #tpu.memory_space<vmem>> -> memref<1x100x64xf32, #tpu.memory_space<vmem>>
        %dma_start3A_375 = tpu.memref_squeeze %dma_start3A_374 : memref<1x100x64xf32, #tpu.memory_space<vmem>> -> memref<100x64xf32, #tpu.memory_space<vmem>>
        %dma_start3A_376 = arith.constant 0 : i32
        %dma_start3A_377 = tpu.memref_slice %arg5[%add3A_370, %dma_start3A_376] : memref<256x100xi32, #tpu.memory_space<vmem>> -> memref<1x100xi32, #tpu.memory_space<vmem>>
        %dma_start3A_378 = tpu.memref_squeeze %dma_start3A_377 : memref<1x100xi32, #tpu.memory_space<vmem>> -> memref<100xi32, #tpu.memory_space<vmem>>
        %dma_start3A_379 = arith.constant 0 : i32
        %dma_start3A_380 = arith.constant 0 : i32
        %dma_start3A_381 = tpu.memref_slice %arg3[%dma_start3A_379, %dma_start3A_380] : memref<1015808x64xf32, #tpu.memory_space<hbm>> -> memref<1015808x64xf32, #tpu.memory_space<hbm>>
        tpu.enqueue_indirect_dma source(%dma_start3A_381 : memref<1015808x64xf32, #tpu.memory_space<hbm>>) target(%dma_start3A_375 : memref<100x64xf32, #tpu.memory_space<vmem>>) offsets(%dma_start3A_378 : memref<100xi32, #tpu.memory_space<vmem>>) semaphore(%arg9 : memref<!tpu.dma_semaphore, #tpu.memory_space<semaphore_mem>>)
      } else {
      }
      %mul3A_226 = arith.constant 4 : i32
      %mul3A_227 = arith.muli %mul3A_226, %scan3A_105 : i32
      %add3A_228 = arith.constant 2 : i32
      %add3A_229 = arith.addi %mul3A_227, %add3A_228 : i32
      %dma_wait3A_230 = arith.constant 0 : i32
      %dma_wait3A_231 = arith.constant 2 : i32
      %dma_wait3A_232 = arith.constant 0 : i32
      %dma_wait3A_233 = arith.constant 0 : i32
      %dma_wait3A_234 = tpu.memref_slice %arg6[%dma_wait3A_231, %dma_wait3A_232, %dma_wait3A_233] : memref<4x200x64xf32, #tpu.memory_space<vmem>> -> memref<1x100x64xf32, #tpu.memory_space<vmem>>
      %dma_wait3A_235 = tpu.memref_squeeze %dma_wait3A_234 : memref<1x100x64xf32, #tpu.memory_space<vmem>> -> memref<100x64xf32, #tpu.memory_space<vmem>>
      %dma_wait3A_236 = arith.constant 0 : i32
      %dma_wait3A_237 = tpu.memref_slice %arg5[%dma_wait3A_230, %dma_wait3A_236] : memref<256x100xi32, #tpu.memory_space<vmem>> -> memref<1x100xi32, #tpu.memory_space<vmem>>
      %dma_wait3A_238 = tpu.memref_squeeze %dma_wait3A_237 : memref<1x100xi32, #tpu.memory_space<vmem>> -> memref<100xi32, #tpu.memory_space<vmem>>
      %dma_wait3A_239 = arith.constant 0 : i32
      %dma_wait3A_240 = arith.constant 0 : i32
      %dma_wait3A_241 = tpu.memref_slice %arg3[%dma_wait3A_239, %dma_wait3A_240] : memref<1015808x64xf32, #tpu.memory_space<hbm>> -> memref<1015808x64xf32, #tpu.memory_space<hbm>>
      tpu.wait_indirect_dma semaphore(%arg10 : memref<!tpu.dma_semaphore, #tpu.memory_space<semaphore_mem>>) src(%dma_wait3A_241 : memref<1015808x64xf32, #tpu.memory_space<hbm>>) dst(%dma_wait3A_235 : memref<100x64xf32, #tpu.memory_space<vmem>>)
      %dma_wait3A_242 = arith.constant 0 : i32
      %dma_wait3A_243 = arith.constant 2 : i32
      %dma_wait3A_244 = arith.constant 100 : i32
      %dma_wait3A_245 = arith.constant 0 : i32
      %dma_wait3A_246 = tpu.memref_slice %arg6[%dma_wait3A_243, %dma_wait3A_244, %dma_wait3A_245] : memref<4x200x64xf32, #tpu.memory_space<vmem>> -> memref<1x100x64xf32, #tpu.memory_space<vmem>>
      %dma_wait3A_247 = tpu.memref_squeeze %dma_wait3A_246 : memref<1x100x64xf32, #tpu.memory_space<vmem>> -> memref<100x64xf32, #tpu.memory_space<vmem>>
      %dma_wait3A_248 = arith.constant 0 : i32
      %dma_wait3A_249 = tpu.memref_slice %arg5[%dma_wait3A_242, %dma_wait3A_248] : memref<256x100xi32, #tpu.memory_space<vmem>> -> memref<1x100xi32, #tpu.memory_space<vmem>>
      %dma_wait3A_250 = tpu.memref_squeeze %dma_wait3A_249 : memref<1x100xi32, #tpu.memory_space<vmem>> -> memref<100xi32, #tpu.memory_space<vmem>>
      %dma_wait3A_251 = arith.constant 0 : i32
      %dma_wait3A_252 = arith.constant 0 : i32
      %dma_wait3A_253 = tpu.memref_slice %arg3[%dma_wait3A_251, %dma_wait3A_252] : memref<1015808x64xf32, #tpu.memory_space<hbm>> -> memref<1015808x64xf32, #tpu.memory_space<hbm>>
      tpu.wait_indirect_dma semaphore(%arg10 : memref<!tpu.dma_semaphore, #tpu.memory_space<semaphore_mem>>) src(%dma_wait3A_253 : memref<1015808x64xf32, #tpu.memory_space<hbm>>) dst(%dma_wait3A_247 : memref<100x64xf32, #tpu.memory_space<vmem>>)
      %broadcast_in_dim3A_254 = arith.constant 0.000000e+00 : f32
      %broadcast_in_dim3A_255 = vector.broadcast %broadcast_in_dim3A_254 : f32 to vector<16xf32>
      %scan3A_256 = arith.constant 0 : i32
      %scan3A_257 = arith.constant 200 : i32
      %scan3A_258 = arith.addi %scan3A_256, %scan3A_257 : i32
      %scan3A_259 = arith.constant 8 : i32
      %scan3A_260:4 = scf.for %scan3A_352 = %scan3A_256 to %scan3A_258 step %scan3A_259 iter_args(%scan3A_353 = %broadcast_in_dim3A_255, %scan3A_354 = %broadcast_in_dim3A_255, %scan3A_355 = %broadcast_in_dim3A_255, %scan3A_356 = %broadcast_in_dim3A_255) -> (vector<16xf32>, vector<16xf32>, vector<16xf32>, vector<16xf32>)  : i32 {
        %get3A = arith.constant 2 : i32
        %get3A_357 = arith.index_cast %get3A : i32 to index
        %get3A_358 = arith.index_cast %scan3A_352 : i32 to index
        %get3A_359 = arith.constant 0 : index
        %get3A_360 = tpu.vector_load %arg6[%get3A_357, %get3A_358, %get3A_359] {strides = array<i32>} : memref<4x200x64xf32, #tpu.memory_space<vmem>>, vector<1x1x16xf32>,
        %get3A_361 = vector.shape_cast %get3A_360 : vector<1x1x16xf32> to vector<16xf32>
        %add3A_362 = arith.addf %scan3A_353, %get3A_361 : vector<16xf32>
        %get3A_363 = arith.constant 2 : i32
        %get3A_364 = arith.index_cast %get3A_363 : i32 to index
        %get3A_365 = arith.index_cast %scan3A_352 : i32 to index
        %get3A_366 = arith.constant 16 : index
        %get3A_367 = tpu.vector_load %arg6[%get3A_364, %get3A_365, %get3A_366] {strides = array<i32>} : memref<4x200x64xf32, #tpu.memory_space<vmem>>, vector<1x1x16xf32>,
        %get3A_368 = vector.shape_cast %get3A_367 : vector<1x1x16xf32> to vector<16xf32>
        %add3A_369 = arith.addf %scan3A_354, %get3A_368 : vector<16xf32>
        %get3A_370 = arith.constant 2 : i32
        %get3A_371 = arith.index_cast %get3A_370 : i32 to index
        %get3A_372 = arith.index_cast %scan3A_352 : i32 to index
        %get3A_373 = arith.constant 32 : index
        %get3A_374 = tpu.vector_load %arg6[%get3A_371, %get3A_372, %get3A_373] {strides = array<i32>} : memref<4x200x64xf32, #tpu.memory_space<vmem>>, vector<1x1x16xf32>,
        %get3A_375 = vector.shape_cast %get3A_374 : vector<1x1x16xf32> to vector<16xf32>
        %add3A_376 = arith.addf %scan3A_355, %get3A_375 : vector<16xf32>
        %get3A_377 = arith.constant 2 : i32
        %get3A_378 = arith.index_cast %get3A_377 : i32 to index
        %get3A_379 = arith.index_cast %scan3A_352 : i32 to index
        %get3A_380 = arith.constant 48 : index
        %get3A_381 = tpu.vector_load %arg6[%get3A_378, %get3A_379, %get3A_380] {strides = array<i32>} : memref<4x200x64xf32, #tpu.memory_space<vmem>>, vector<1x1x16xf32>,
        %get3A_382 = vector.shape_cast %get3A_381 : vector<1x1x16xf32> to vector<16xf32>
        %add3A_383 = arith.addf %scan3A_356, %get3A_382 : vector<16xf32>
        %scan3A_384 = arith.constant 1 : i32
        %scan3A_385 = arith.addi %scan3A_352, %scan3A_384 : i32
        %get3A_386 = arith.constant 2 : i32
        %get3A_387 = arith.index_cast %get3A_386 : i32 to index
        %get3A_388 = arith.index_cast %scan3A_385 : i32 to index
        %get3A_389 = arith.constant 0 : index
        %get3A_390 = tpu.vector_load %arg6[%get3A_387, %get3A_388, %get3A_389] {strides = array<i32>} : memref<4x200x64xf32, #tpu.memory_space<vmem>>, vector<1x1x16xf32>,
        %get3A_391 = vector.shape_cast %get3A_390 : vector<1x1x16xf32> to vector<16xf32>
        %add3A_392 = arith.addf %add3A_362, %get3A_391 : vector<16xf32>
        %get3A_393 = arith.constant 2 : i32
        %get3A_394 = arith.index_cast %get3A_393 : i32 to index
        %get3A_395 = arith.index_cast %scan3A_385 : i32 to index
        %get3A_396 = arith.constant 16 : index
        %get3A_397 = tpu.vector_load %arg6[%get3A_394, %get3A_395, %get3A_396] {strides = array<i32>} : memref<4x200x64xf32, #tpu.memory_space<vmem>>, vector<1x1x16xf32>,
        %get3A_398 = vector.shape_cast %get3A_397 : vector<1x1x16xf32> to vector<16xf32>
        %add3A_399 = arith.addf %add3A_369, %get3A_398 : vector<16xf32>
        %get3A_400 = arith.constant 2 : i32
        %get3A_401 = arith.index_cast %get3A_400 : i32 to index
        %get3A_402 = arith.index_cast %scan3A_385 : i32 to index
        %get3A_403 = arith.constant 32 : index
        %get3A_404 = tpu.vector_load %arg6[%get3A_401, %get3A_402, %get3A_403] {strides = array<i32>} : memref<4x200x64xf32, #tpu.memory_space<vmem>>, vector<1x1x16xf32>,
        %get3A_405 = vector.shape_cast %get3A_404 : vector<1x1x16xf32> to vector<16xf32>
        %add3A_406 = arith.addf %add3A_376, %get3A_405 : vector<16xf32>
        %get3A_407 = arith.constant 2 : i32
        %get3A_408 = arith.index_cast %get3A_407 : i32 to index
        %get3A_409 = arith.index_cast %scan3A_385 : i32 to index
        %get3A_410 = arith.constant 48 : index
        %get3A_411 = tpu.vector_load %arg6[%get3A_408, %get3A_409, %get3A_410] {strides = array<i32>} : memref<4x200x64xf32, #tpu.memory_space<vmem>>, vector<1x1x16xf32>,
        %get3A_412 = vector.shape_cast %get3A_411 : vector<1x1x16xf32> to vector<16xf32>
        %add3A_413 = arith.addf %add3A_383, %get3A_412 : vector<16xf32>
        %scan3A_414 = arith.constant 2 : i32
        %scan3A_415 = arith.addi %scan3A_352, %scan3A_414 : i32
        %get3A_416 = arith.constant 2 : i32
        %get3A_417 = arith.index_cast %get3A_416 : i32 to index
        %get3A_418 = arith.index_cast %scan3A_415 : i32 to index
        %get3A_419 = arith.constant 0 : index
        %get3A_420 = tpu.vector_load %arg6[%get3A_417, %get3A_418, %get3A_419] {strides = array<i32>} : memref<4x200x64xf32, #tpu.memory_space<vmem>>, vector<1x1x16xf32>,
        %get3A_421 = vector.shape_cast %get3A_420 : vector<1x1x16xf32> to vector<16xf32>
        %add3A_422 = arith.addf %add3A_392, %get3A_421 : vector<16xf32>
        %get3A_423 = arith.constant 2 : i32
        %get3A_424 = arith.index_cast %get3A_423 : i32 to index
        %get3A_425 = arith.index_cast %scan3A_415 : i32 to index
        %get3A_426 = arith.constant 16 : index
        %get3A_427 = tpu.vector_load %arg6[%get3A_424, %get3A_425, %get3A_426] {strides = array<i32>} : memref<4x200x64xf32, #tpu.memory_space<vmem>>, vector<1x1x16xf32>,
        %get3A_428 = vector.shape_cast %get3A_427 : vector<1x1x16xf32> to vector<16xf32>
        %add3A_429 = arith.addf %add3A_399, %get3A_428 : vector<16xf32>
        %get3A_430 = arith.constant 2 : i32
        %get3A_431 = arith.index_cast %get3A_430 : i32 to index
        %get3A_432 = arith.index_cast %scan3A_415 : i32 to index
        %get3A_433 = arith.constant 32 : index
        %get3A_434 = tpu.vector_load %arg6[%get3A_431, %get3A_432, %get3A_433] {strides = array<i32>} : memref<4x200x64xf32, #tpu.memory_space<vmem>>, vector<1x1x16xf32>,
        %get3A_435 = vector.shape_cast %get3A_434 : vector<1x1x16xf32> to vector<16xf32>
        %add3A_436 = arith.addf %add3A_406, %get3A_435 : vector<16xf32>
        %get3A_437 = arith.constant 2 : i32
        %get3A_438 = arith.index_cast %get3A_437 : i32 to index
        %get3A_439 = arith.index_cast %scan3A_415 : i32 to index
        %get3A_440 = arith.constant 48 : index
        %get3A_441 = tpu.vector_load %arg6[%get3A_438, %get3A_439, %get3A_440] {strides = array<i32>} : memref<4x200x64xf32, #tpu.memory_space<vmem>>, vector<1x1x16xf32>,
        %get3A_442 = vector.shape_cast %get3A_441 : vector<1x1x16xf32> to vector<16xf32>
        %add3A_443 = arith.addf %add3A_413, %get3A_442 : vector<16xf32>
        %scan3A_444 = arith.constant 3 : i32
        %scan3A_445 = arith.addi %scan3A_352, %scan3A_444 : i32
        %get3A_446 = arith.constant 2 : i32
        %get3A_447 = arith.index_cast %get3A_446 : i32 to index
        %get3A_448 = arith.index_cast %scan3A_445 : i32 to index
        %get3A_449 = arith.constant 0 : index
        %get3A_450 = tpu.vector_load %arg6[%get3A_447, %get3A_448, %get3A_449] {strides = array<i32>} : memref<4x200x64xf32, #tpu.memory_space<vmem>>, vector<1x1x16xf32>,
        %get3A_451 = vector.shape_cast %get3A_450 : vector<1x1x16xf32> to vector<16xf32>
        %add3A_452 = arith.addf %add3A_422, %get3A_451 : vector<16xf32>
        %get3A_453 = arith.constant 2 : i32
        %get3A_454 = arith.index_cast %get3A_453 : i32 to index
        %get3A_455 = arith.index_cast %scan3A_445 : i32 to index
        %get3A_456 = arith.constant 16 : index
        %get3A_457 = tpu.vector_load %arg6[%get3A_454, %get3A_455, %get3A_456] {strides = array<i32>} : memref<4x200x64xf32, #tpu.memory_space<vmem>>, vector<1x1x16xf32>,
        %get3A_458 = vector.shape_cast %get3A_457 : vector<1x1x16xf32> to vector<16xf32>
        %add3A_459 = arith.addf %add3A_429, %get3A_458 : vector<16xf32>
        %get3A_460 = arith.constant 2 : i32
        %get3A_461 = arith.index_cast %get3A_460 : i32 to index
        %get3A_462 = arith.index_cast %scan3A_445 : i32 to index
        %get3A_463 = arith.constant 32 : index
        %get3A_464 = tpu.vector_load %arg6[%get3A_461, %get3A_462, %get3A_463] {strides = array<i32>} : memref<4x200x64xf32, #tpu.memory_space<vmem>>, vector<1x1x16xf32>,
        %get3A_465 = vector.shape_cast %get3A_464 : vector<1x1x16xf32> to vector<16xf32>
        %add3A_466 = arith.addf %add3A_436, %get3A_465 : vector<16xf32>
        %get3A_467 = arith.constant 2 : i32
        %get3A_468 = arith.index_cast %get3A_467 : i32 to index
        %get3A_469 = arith.index_cast %scan3A_445 : i32 to index
        %get3A_470 = arith.constant 48 : index
        %get3A_471 = tpu.vector_load %arg6[%get3A_468, %get3A_469, %get3A_470] {strides = array<i32>} : memref<4x200x64xf32, #tpu.memory_space<vmem>>, vector<1x1x16xf32>,
        %get3A_472 = vector.shape_cast %get3A_471 : vector<1x1x16xf32> to vector<16xf32>
        %add3A_473 = arith.addf %add3A_443, %get3A_472 : vector<16xf32>
        %scan3A_474 = arith.constant 4 : i32
        %scan3A_475 = arith.addi %scan3A_352, %scan3A_474 : i32
        %get3A_476 = arith.constant 2 : i32
        %get3A_477 = arith.index_cast %get3A_476 : i32 to index
        %get3A_478 = arith.index_cast %scan3A_475 : i32 to index
        %get3A_479 = arith.constant 0 : index
        %get3A_480 = tpu.vector_load %arg6[%get3A_477, %get3A_478, %get3A_479] {strides = array<i32>} : memref<4x200x64xf32, #tpu.memory_space<vmem>>, vector<1x1x16xf32>,
        %get3A_481 = vector.shape_cast %get3A_480 : vector<1x1x16xf32> to vector<16xf32>
        %add3A_482 = arith.addf %add3A_452, %get3A_481 : vector<16xf32>
        %get3A_483 = arith.constant 2 : i32
        %get3A_484 = arith.index_cast %get3A_483 : i32 to index
        %get3A_485 = arith.index_cast %scan3A_475 : i32 to index
        %get3A_486 = arith.constant 16 : index
        %get3A_487 = tpu.vector_load %arg6[%get3A_484, %get3A_485, %get3A_486] {strides = array<i32>} : memref<4x200x64xf32, #tpu.memory_space<vmem>>, vector<1x1x16xf32>,
        %get3A_488 = vector.shape_cast %get3A_487 : vector<1x1x16xf32> to vector<16xf32>
        %add3A_489 = arith.addf %add3A_459, %get3A_488 : vector<16xf32>
        %get3A_490 = arith.constant 2 : i32
        %get3A_491 = arith.index_cast %get3A_490 : i32 to index
        %get3A_492 = arith.index_cast %scan3A_475 : i32 to index
        %get3A_493 = arith.constant 32 : index
        %get3A_494 = tpu.vector_load %arg6[%get3A_491, %get3A_492, %get3A_493] {strides = array<i32>} : memref<4x200x64xf32, #tpu.memory_space<vmem>>, vector<1x1x16xf32>,
        %get3A_495 = vector.shape_cast %get3A_494 : vector<1x1x16xf32> to vector<16xf32>
        %add3A_496 = arith.addf %add3A_466, %get3A_495 : vector<16xf32>
        %get3A_497 = arith.constant 2 : i32
        %get3A_498 = arith.index_cast %get3A_497 : i32 to index
        %get3A_499 = arith.index_cast %scan3A_475 : i32 to index
        %get3A_500 = arith.constant 48 : index
        %get3A_501 = tpu.vector_load %arg6[%get3A_498, %get3A_499, %get3A_500] {strides = array<i32>} : memref<4x200x64xf32, #tpu.memory_space<vmem>>, vector<1x1x16xf32>,
        %get3A_502 = vector.shape_cast %get3A_501 : vector<1x1x16xf32> to vector<16xf32>
        %add3A_503 = arith.addf %add3A_473, %get3A_502 : vector<16xf32>
        %scan3A_504 = arith.constant 5 : i32
        %scan3A_505 = arith.addi %scan3A_352, %scan3A_504 : i32
        %get3A_506 = arith.constant 2 : i32
        %get3A_507 = arith.index_cast %get3A_506 : i32 to index
        %get3A_508 = arith.index_cast %scan3A_505 : i32 to index
        %get3A_509 = arith.constant 0 : index
        %get3A_510 = tpu.vector_load %arg6[%get3A_507, %get3A_508, %get3A_509] {strides = array<i32>} : memref<4x200x64xf32, #tpu.memory_space<vmem>>, vector<1x1x16xf32>,
        %get3A_511 = vector.shape_cast %get3A_510 : vector<1x1x16xf32> to vector<16xf32>
        %add3A_512 = arith.addf %add3A_482, %get3A_511 : vector<16xf32>
        %get3A_513 = arith.constant 2 : i32
        %get3A_514 = arith.index_cast %get3A_513 : i32 to index
        %get3A_515 = arith.index_cast %scan3A_505 : i32 to index
        %get3A_516 = arith.constant 16 : index
        %get3A_517 = tpu.vector_load %arg6[%get3A_514, %get3A_515, %get3A_516] {strides = array<i32>} : memref<4x200x64xf32, #tpu.memory_space<vmem>>, vector<1x1x16xf32>,
        %get3A_518 = vector.shape_cast %get3A_517 : vector<1x1x16xf32> to vector<16xf32>
        %add3A_519 = arith.addf %add3A_489, %get3A_518 : vector<16xf32>
        %get3A_520 = arith.constant 2 : i32
        %get3A_521 = arith.index_cast %get3A_520 : i32 to index
        %get3A_522 = arith.index_cast %scan3A_505 : i32 to index
        %get3A_523 = arith.constant 32 : index
        %get3A_524 = tpu.vector_load %arg6[%get3A_521, %get3A_522, %get3A_523] {strides = array<i32>} : memref<4x200x64xf32, #tpu.memory_space<vmem>>, vector<1x1x16xf32>,
        %get3A_525 = vector.shape_cast %get3A_524 : vector<1x1x16xf32> to vector<16xf32>
        %add3A_526 = arith.addf %add3A_496, %get3A_525 : vector<16xf32>
        %get3A_527 = arith.constant 2 : i32
        %get3A_528 = arith.index_cast %get3A_527 : i32 to index
        %get3A_529 = arith.index_cast %scan3A_505 : i32 to index
        %get3A_530 = arith.constant 48 : index
        %get3A_531 = tpu.vector_load %arg6[%get3A_528, %get3A_529, %get3A_530] {strides = array<i32>} : memref<4x200x64xf32, #tpu.memory_space<vmem>>, vector<1x1x16xf32>,
        %get3A_532 = vector.shape_cast %get3A_531 : vector<1x1x16xf32> to vector<16xf32>
        %add3A_533 = arith.addf %add3A_503, %get3A_532 : vector<16xf32>
        %scan3A_534 = arith.constant 6 : i32
        %scan3A_535 = arith.addi %scan3A_352, %scan3A_534 : i32
        %get3A_536 = arith.constant 2 : i32
        %get3A_537 = arith.index_cast %get3A_536 : i32 to index
        %get3A_538 = arith.index_cast %scan3A_535 : i32 to index
        %get3A_539 = arith.constant 0 : index
        %get3A_540 = tpu.vector_load %arg6[%get3A_537, %get3A_538, %get3A_539] {strides = array<i32>} : memref<4x200x64xf32, #tpu.memory_space<vmem>>, vector<1x1x16xf32>,
        %get3A_541 = vector.shape_cast %get3A_540 : vector<1x1x16xf32> to vector<16xf32>
        %add3A_542 = arith.addf %add3A_512, %get3A_541 : vector<16xf32>
        %get3A_543 = arith.constant 2 : i32
        %get3A_544 = arith.index_cast %get3A_543 : i32 to index
        %get3A_545 = arith.index_cast %scan3A_535 : i32 to index
        %get3A_546 = arith.constant 16 : index
        %get3A_547 = tpu.vector_load %arg6[%get3A_544, %get3A_545, %get3A_546] {strides = array<i32>} : memref<4x200x64xf32, #tpu.memory_space<vmem>>, vector<1x1x16xf32>,
        %get3A_548 = vector.shape_cast %get3A_547 : vector<1x1x16xf32> to vector<16xf32>
        %add3A_549 = arith.addf %add3A_519, %get3A_548 : vector<16xf32>
        %get3A_550 = arith.constant 2 : i32
        %get3A_551 = arith.index_cast %get3A_550 : i32 to index
        %get3A_552 = arith.index_cast %scan3A_535 : i32 to index
        %get3A_553 = arith.constant 32 : index
        %get3A_554 = tpu.vector_load %arg6[%get3A_551, %get3A_552, %get3A_553] {strides = array<i32>} : memref<4x200x64xf32, #tpu.memory_space<vmem>>, vector<1x1x16xf32>,
        %get3A_555 = vector.shape_cast %get3A_554 : vector<1x1x16xf32> to vector<16xf32>
        %add3A_556 = arith.addf %add3A_526, %get3A_555 : vector<16xf32>
        %get3A_557 = arith.constant 2 : i32
        %get3A_558 = arith.index_cast %get3A_557 : i32 to index
        %get3A_559 = arith.index_cast %scan3A_535 : i32 to index
        %get3A_560 = arith.constant 48 : index
        %get3A_561 = tpu.vector_load %arg6[%get3A_558, %get3A_559, %get3A_560] {strides = array<i32>} : memref<4x200x64xf32, #tpu.memory_space<vmem>>, vector<1x1x16xf32>,
        %get3A_562 = vector.shape_cast %get3A_561 : vector<1x1x16xf32> to vector<16xf32>
        %add3A_563 = arith.addf %add3A_533, %get3A_562 : vector<16xf32>
        %scan3A_564 = arith.constant 7 : i32
        %scan3A_565 = arith.addi %scan3A_352, %scan3A_564 : i32
        %get3A_566 = arith.constant 2 : i32
        %get3A_567 = arith.index_cast %get3A_566 : i32 to index
        %get3A_568 = arith.index_cast %scan3A_565 : i32 to index
        %get3A_569 = arith.constant 0 : index
        %get3A_570 = tpu.vector_load %arg6[%get3A_567, %get3A_568, %get3A_569] {strides = array<i32>} : memref<4x200x64xf32, #tpu.memory_space<vmem>>, vector<1x1x16xf32>,
        %get3A_571 = vector.shape_cast %get3A_570 : vector<1x1x16xf32> to vector<16xf32>
        %add3A_572 = arith.addf %add3A_542, %get3A_571 : vector<16xf32>
        %get3A_573 = arith.constant 2 : i32
        %get3A_574 = arith.index_cast %get3A_573 : i32 to index
        %get3A_575 = arith.index_cast %scan3A_565 : i32 to index
        %get3A_576 = arith.constant 16 : index
        %get3A_577 = tpu.vector_load %arg6[%get3A_574, %get3A_575, %get3A_576] {strides = array<i32>} : memref<4x200x64xf32, #tpu.memory_space<vmem>>, vector<1x1x16xf32>,
        %get3A_578 = vector.shape_cast %get3A_577 : vector<1x1x16xf32> to vector<16xf32>
        %add3A_579 = arith.addf %add3A_549, %get3A_578 : vector<16xf32>
        %get3A_580 = arith.constant 2 : i32
        %get3A_581 = arith.index_cast %get3A_580 : i32 to index
        %get3A_582 = arith.index_cast %scan3A_565 : i32 to index
        %get3A_583 = arith.constant 32 : index
        %get3A_584 = tpu.vector_load %arg6[%get3A_581, %get3A_582, %get3A_583] {strides = array<i32>} : memref<4x200x64xf32, #tpu.memory_space<vmem>>, vector<1x1x16xf32>,
        %get3A_585 = vector.shape_cast %get3A_584 : vector<1x1x16xf32> to vector<16xf32>
        %add3A_586 = arith.addf %add3A_556, %get3A_585 : vector<16xf32>
        %get3A_587 = arith.constant 2 : i32
        %get3A_588 = arith.index_cast %get3A_587 : i32 to index
        %get3A_589 = arith.index_cast %scan3A_565 : i32 to index
        %get3A_590 = arith.constant 48 : index
        %get3A_591 = tpu.vector_load %arg6[%get3A_588, %get3A_589, %get3A_590] {strides = array<i32>} : memref<4x200x64xf32, #tpu.memory_space<vmem>>, vector<1x1x16xf32>,
        %get3A_592 = vector.shape_cast %get3A_591 : vector<1x1x16xf32> to vector<16xf32>
        %add3A_593 = arith.addf %add3A_563, %get3A_592 : vector<16xf32>
        scf.yield %add3A_572, %add3A_579, %add3A_586, %add3A_593 : vector<16xf32>, vector<16xf32>, vector<16xf32>, vector<16xf32>
      }
      %scan3A_261 = arith.constant 200 : i32
      %swap3A_262 = arith.index_cast %add3A_229 : i32 to index
      %swap3A_263 = arith.constant 0 : index
      %swap3A_264 = tpu.vector_load %arg7[%swap3A_262, %swap3A_263] {strides = array<i32>} : memref<128x64xf32, #tpu.memory_space<vmem>>, vector<1x16xf32>,
      %swap3A_265 = vector.shape_cast %swap3A_264 : vector<1x16xf32> to vector<16xf32>
      %swap3A_266 = vector.shape_cast %scan3A_260#0 : vector<16xf32> to vector<1x16xf32>
      tpu.vector_store %arg7[%swap3A_262, %swap3A_263], %swap3A_266 {strides = array<i32>} : memref<128x64xf32, #tpu.memory_space<vmem>>, vector<1x16xf32>,
      %swap3A_267 = arith.index_cast %add3A_229 : i32 to index
      %swap3A_268 = arith.constant 16 : index
      %swap3A_269 = tpu.vector_load %arg7[%swap3A_267, %swap3A_268] {strides = array<i32>} : memref<128x64xf32, #tpu.memory_space<vmem>>, vector<1x16xf32>,
      %swap3A_270 = vector.shape_cast %swap3A_269 : vector<1x16xf32> to vector<16xf32>
      %swap3A_271 = vector.shape_cast %scan3A_260#1 : vector<16xf32> to vector<1x16xf32>
      tpu.vector_store %arg7[%swap3A_267, %swap3A_268], %swap3A_271 {strides = array<i32>} : memref<128x64xf32, #tpu.memory_space<vmem>>, vector<1x16xf32>,
      %swap3A_272 = arith.index_cast %add3A_229 : i32 to index
      %swap3A_273 = arith.constant 32 : index
      %swap3A_274 = tpu.vector_load %arg7[%swap3A_272, %swap3A_273] {strides = array<i32>} : memref<128x64xf32, #tpu.memory_space<vmem>>, vector<1x16xf32>,
      %swap3A_275 = vector.shape_cast %swap3A_274 : vector<1x16xf32> to vector<16xf32>
      %swap3A_276 = vector.shape_cast %scan3A_260#2 : vector<16xf32> to vector<1x16xf32>
      tpu.vector_store %arg7[%swap3A_272, %swap3A_273], %swap3A_276 {strides = array<i32>} : memref<128x64xf32, #tpu.memory_space<vmem>>, vector<1x16xf32>,
      %swap3A_277 = arith.index_cast %add3A_229 : i32 to index
      %swap3A_278 = arith.constant 48 : index
      %swap3A_279 = tpu.vector_load %arg7[%swap3A_277, %swap3A_278] {strides = array<i32>} : memref<128x64xf32, #tpu.memory_space<vmem>>, vector<1x16xf32>,
      %swap3A_280 = vector.shape_cast %swap3A_279 : vector<1x16xf32> to vector<16xf32>
      %swap3A_281 = vector.shape_cast %scan3A_260#3 : vector<16xf32> to vector<1x16xf32>
      tpu.vector_store %arg7[%swap3A_277, %swap3A_278], %swap3A_281 {strides = array<i32>} : memref<128x64xf32, #tpu.memory_space<vmem>>, vector<1x16xf32>,
      %add3A_282 = arith.constant 4 : i32
      %add3A_283 = arith.addi %add3A_229, %add3A_282 : i32
      %lt3A_284 = arith.constant 128 : i32
      %lt3A_285 = arith.cmpi slt, %add3A_283, %lt3A_284 : i32
      %convert_element_type3A_286 = arith.extui %lt3A_285 : i1 to i32
      %cond3A_287 = arith.constant 0 : i32
      %cond3A_288 = arith.cmpi ne, %convert_element_type3A_286, %cond3A_287 : i32
      scf.if %cond3A_288 {
        %add3A_352 = arith.constant 4 : i32
        %add3A_353 = arith.addi %add3A_229, %add3A_352 : i32
        %mul3A_354 = arith.constant 2 : i32
        %mul3A_355 = arith.muli %mul3A_354, %add3A_353 : i32
        %dma_start3A_356 = arith.constant 2 : i32
        %dma_start3A_357 = arith.constant 0 : i32
        %dma_start3A_358 = arith.constant 0 : i32
        %dma_start3A_359 = tpu.memref_slice %arg6[%dma_start3A_356, %dma_start3A_357, %dma_start3A_358] : memref<4x200x64xf32, #tpu.memory_space<vmem>> -> memref<1x100x64xf32, #tpu.memory_space<vmem>>
        %dma_start3A_360 = tpu.memref_squeeze %dma_start3A_359 : memref<1x100x64xf32, #tpu.memory_space<vmem>> -> memref<100x64xf32, #tpu.memory_space<vmem>>
        %dma_start3A_361 = arith.constant 0 : i32
        %dma_start3A_362 = tpu.memref_slice %arg5[%mul3A_355, %dma_start3A_361] : memref<256x100xi32, #tpu.memory_space<vmem>> -> memref<1x100xi32, #tpu.memory_space<vmem>>
        %dma_start3A_363 = tpu.memref_squeeze %dma_start3A_362 : memref<1x100xi32, #tpu.memory_space<vmem>> -> memref<100xi32, #tpu.memory_space<vmem>>
        %dma_start3A_364 = arith.constant 0 : i32
        %dma_start3A_365 = arith.constant 0 : i32
        %dma_start3A_366 = tpu.memref_slice %arg3[%dma_start3A_364, %dma_start3A_365] : memref<1015808x64xf32, #tpu.memory_space<hbm>> -> memref<1015808x64xf32, #tpu.memory_space<hbm>>
        tpu.enqueue_indirect_dma source(%dma_start3A_366 : memref<1015808x64xf32, #tpu.memory_space<hbm>>) target(%dma_start3A_360 : memref<100x64xf32, #tpu.memory_space<vmem>>) offsets(%dma_start3A_363 : memref<100xi32, #tpu.memory_space<vmem>>) semaphore(%arg10 : memref<!tpu.dma_semaphore, #tpu.memory_space<semaphore_mem>>)
        %mul3A_367 = arith.constant 2 : i32
        %mul3A_368 = arith.muli %mul3A_367, %add3A_353 : i32
        %add3A_369 = arith.constant 1 : i32
        %add3A_370 = arith.addi %mul3A_368, %add3A_369 : i32
        %dma_start3A_371 = arith.constant 2 : i32
        %dma_start3A_372 = arith.constant 100 : i32
        %dma_start3A_373 = arith.constant 0 : i32
        %dma_start3A_374 = tpu.memref_slice %arg6[%dma_start3A_371, %dma_start3A_372, %dma_start3A_373] : memref<4x200x64xf32, #tpu.memory_space<vmem>> -> memref<1x100x64xf32, #tpu.memory_space<vmem>>
        %dma_start3A_375 = tpu.memref_squeeze %dma_start3A_374 : memref<1x100x64xf32, #tpu.memory_space<vmem>> -> memref<100x64xf32, #tpu.memory_space<vmem>>
        %dma_start3A_376 = arith.constant 0 : i32
        %dma_start3A_377 = tpu.memref_slice %arg5[%add3A_370, %dma_start3A_376] : memref<256x100xi32, #tpu.memory_space<vmem>> -> memref<1x100xi32, #tpu.memory_space<vmem>>
        %dma_start3A_378 = tpu.memref_squeeze %dma_start3A_377 : memref<1x100xi32, #tpu.memory_space<vmem>> -> memref<100xi32, #tpu.memory_space<vmem>>
        %dma_start3A_379 = arith.constant 0 : i32
        %dma_start3A_380 = arith.constant 0 : i32
        %dma_start3A_381 = tpu.memref_slice %arg3[%dma_start3A_379, %dma_start3A_380] : memref<1015808x64xf32, #tpu.memory_space<hbm>> -> memref<1015808x64xf32, #tpu.memory_space<hbm>>
        tpu.enqueue_indirect_dma source(%dma_start3A_381 : memref<1015808x64xf32, #tpu.memory_space<hbm>>) target(%dma_start3A_375 : memref<100x64xf32, #tpu.memory_space<vmem>>) offsets(%dma_start3A_378 : memref<100xi32, #tpu.memory_space<vmem>>) semaphore(%arg10 : memref<!tpu.dma_semaphore, #tpu.memory_space<semaphore_mem>>)
      } else {
      }
      %mul3A_289 = arith.constant 4 : i32
      %mul3A_290 = arith.muli %mul3A_289, %scan3A_105 : i32
      %add3A_291 = arith.constant 3 : i32
      %add3A_292 = arith.addi %mul3A_290, %add3A_291 : i32
      %dma_wait3A_293 = arith.constant 0 : i32
      %dma_wait3A_294 = arith.constant 3 : i32
      %dma_wait3A_295 = arith.constant 0 : i32
      %dma_wait3A_296 = arith.constant 0 : i32
      %dma_wait3A_297 = tpu.memref_slice %arg6[%dma_wait3A_294, %dma_wait3A_295, %dma_wait3A_296] : memref<4x200x64xf32, #tpu.memory_space<vmem>> -> memref<1x100x64xf32, #tpu.memory_space<vmem>>
      %dma_wait3A_298 = tpu.memref_squeeze %dma_wait3A_297 : memref<1x100x64xf32, #tpu.memory_space<vmem>> -> memref<100x64xf32, #tpu.memory_space<vmem>>
      %dma_wait3A_299 = arith.constant 0 : i32
      %dma_wait3A_300 = tpu.memref_slice %arg5[%dma_wait3A_293, %dma_wait3A_299] : memref<256x100xi32, #tpu.memory_space<vmem>> -> memref<1x100xi32, #tpu.memory_space<vmem>>
      %dma_wait3A_301 = tpu.memref_squeeze %dma_wait3A_300 : memref<1x100xi32, #tpu.memory_space<vmem>> -> memref<100xi32, #tpu.memory_space<vmem>>
      %dma_wait3A_302 = arith.constant 0 : i32
      %dma_wait3A_303 = arith.constant 0 : i32
      %dma_wait3A_304 = tpu.memref_slice %arg3[%dma_wait3A_302, %dma_wait3A_303] : memref<1015808x64xf32, #tpu.memory_space<hbm>> -> memref<1015808x64xf32, #tpu.memory_space<hbm>>
      tpu.wait_indirect_dma semaphore(%arg11 : memref<!tpu.dma_semaphore, #tpu.memory_space<semaphore_mem>>) src(%dma_wait3A_304 : memref<1015808x64xf32, #tpu.memory_space<hbm>>) dst(%dma_wait3A_298 : memref<100x64xf32, #tpu.memory_space<vmem>>)
      %dma_wait3A_305 = arith.constant 0 : i32
      %dma_wait3A_306 = arith.constant 3 : i32
      %dma_wait3A_307 = arith.constant 100 : i32
      %dma_wait3A_308 = arith.constant 0 : i32
      %dma_wait3A_309 = tpu.memref_slice %arg6[%dma_wait3A_306, %dma_wait3A_307, %dma_wait3A_308] : memref<4x200x64xf32, #tpu.memory_space<vmem>> -> memref<1x100x64xf32, #tpu.memory_space<vmem>>
      %dma_wait3A_310 = tpu.memref_squeeze %dma_wait3A_309 : memref<1x100x64xf32, #tpu.memory_space<vmem>> -> memref<100x64xf32, #tpu.memory_space<vmem>>
      %dma_wait3A_311 = arith.constant 0 : i32
      %dma_wait3A_312 = tpu.memref_slice %arg5[%dma_wait3A_305, %dma_wait3A_311] : memref<256x100xi32, #tpu.memory_space<vmem>> -> memref<1x100xi32, #tpu.memory_space<vmem>>
      %dma_wait3A_313 = tpu.memref_squeeze %dma_wait3A_312 : memref<1x100xi32, #tpu.memory_space<vmem>> -> memref<100xi32, #tpu.memory_space<vmem>>
      %dma_wait3A_314 = arith.constant 0 : i32
      %dma_wait3A_315 = arith.constant 0 : i32
      %dma_wait3A_316 = tpu.memref_slice %arg3[%dma_wait3A_314, %dma_wait3A_315] : memref<1015808x64xf32, #tpu.memory_space<hbm>> -> memref<1015808x64xf32, #tpu.memory_space<hbm>>
      tpu.wait_indirect_dma semaphore(%arg11 : memref<!tpu.dma_semaphore, #tpu.memory_space<semaphore_mem>>) src(%dma_wait3A_316 : memref<1015808x64xf32, #tpu.memory_space<hbm>>) dst(%dma_wait3A_310 : memref<100x64xf32, #tpu.memory_space<vmem>>)
      %broadcast_in_dim3A_317 = arith.constant 0.000000e+00 : f32
      %broadcast_in_dim3A_318 = vector.broadcast %broadcast_in_dim3A_317 : f32 to vector<16xf32>
      %scan3A_319 = arith.constant 0 : i32
      %scan3A_320 = arith.constant 200 : i32
      %scan3A_321 = arith.addi %scan3A_319, %scan3A_320 : i32
      %scan3A_322 = arith.constant 8 : i32
      %scan3A_323:4 = scf.for %scan3A_352 = %scan3A_319 to %scan3A_321 step %scan3A_322 iter_args(%scan3A_353 = %broadcast_in_dim3A_318, %scan3A_354 = %broadcast_in_dim3A_318, %scan3A_355 = %broadcast_in_dim3A_318, %scan3A_356 = %broadcast_in_dim3A_318) -> (vector<16xf32>, vector<16xf32>, vector<16xf32>, vector<16xf32>)  : i32 {
        %get3A = arith.constant 3 : i32
        %get3A_357 = arith.index_cast %get3A : i32 to index
        %get3A_358 = arith.index_cast %scan3A_352 : i32 to index
        %get3A_359 = arith.constant 0 : index
        %get3A_360 = tpu.vector_load %arg6[%get3A_357, %get3A_358, %get3A_359] {strides = array<i32>} : memref<4x200x64xf32, #tpu.memory_space<vmem>>, vector<1x1x16xf32>,
        %get3A_361 = vector.shape_cast %get3A_360 : vector<1x1x16xf32> to vector<16xf32>
        %add3A_362 = arith.addf %scan3A_353, %get3A_361 : vector<16xf32>
        %get3A_363 = arith.constant 3 : i32
        %get3A_364 = arith.index_cast %get3A_363 : i32 to index
        %get3A_365 = arith.index_cast %scan3A_352 : i32 to index
        %get3A_366 = arith.constant 16 : index
        %get3A_367 = tpu.vector_load %arg6[%get3A_364, %get3A_365, %get3A_366] {strides = array<i32>} : memref<4x200x64xf32, #tpu.memory_space<vmem>>, vector<1x1x16xf32>,
        %get3A_368 = vector.shape_cast %get3A_367 : vector<1x1x16xf32> to vector<16xf32>
        %add3A_369 = arith.addf %scan3A_354, %get3A_368 : vector<16xf32>
        %get3A_370 = arith.constant 3 : i32
        %get3A_371 = arith.index_cast %get3A_370 : i32 to index
        %get3A_372 = arith.index_cast %scan3A_352 : i32 to index
        %get3A_373 = arith.constant 32 : index
        %get3A_374 = tpu.vector_load %arg6[%get3A_371, %get3A_372, %get3A_373] {strides = array<i32>} : memref<4x200x64xf32, #tpu.memory_space<vmem>>, vector<1x1x16xf32>,
        %get3A_375 = vector.shape_cast %get3A_374 : vector<1x1x16xf32> to vector<16xf32>
        %add3A_376 = arith.addf %scan3A_355, %get3A_375 : vector<16xf32>
        %get3A_377 = arith.constant 3 : i32
        %get3A_378 = arith.index_cast %get3A_377 : i32 to index
        %get3A_379 = arith.index_cast %scan3A_352 : i32 to index
        %get3A_380 = arith.constant 48 : index
        %get3A_381 = tpu.vector_load %arg6[%get3A_378, %get3A_379, %get3A_380] {strides = array<i32>} : memref<4x200x64xf32, #tpu.memory_space<vmem>>, vector<1x1x16xf32>,
        %get3A_382 = vector.shape_cast %get3A_381 : vector<1x1x16xf32> to vector<16xf32>
        %add3A_383 = arith.addf %scan3A_356, %get3A_382 : vector<16xf32>
        %scan3A_384 = arith.constant 1 : i32
        %scan3A_385 = arith.addi %scan3A_352, %scan3A_384 : i32
        %get3A_386 = arith.constant 3 : i32
        %get3A_387 = arith.index_cast %get3A_386 : i32 to index
        %get3A_388 = arith.index_cast %scan3A_385 : i32 to index
        %get3A_389 = arith.constant 0 : index
        %get3A_390 = tpu.vector_load %arg6[%get3A_387, %get3A_388, %get3A_389] {strides = array<i32>} : memref<4x200x64xf32, #tpu.memory_space<vmem>>, vector<1x1x16xf32>,
        %get3A_391 = vector.shape_cast %get3A_390 : vector<1x1x16xf32> to vector<16xf32>
        %add3A_392 = arith.addf %add3A_362, %get3A_391 : vector<16xf32>
        %get3A_393 = arith.constant 3 : i32
        %get3A_394 = arith.index_cast %get3A_393 : i32 to index
        %get3A_395 = arith.index_cast %scan3A_385 : i32 to index
        %get3A_396 = arith.constant 16 : index
        %get3A_397 = tpu.vector_load %arg6[%get3A_394, %get3A_395, %get3A_396] {strides = array<i32>} : memref<4x200x64xf32, #tpu.memory_space<vmem>>, vector<1x1x16xf32>,
        %get3A_398 = vector.shape_cast %get3A_397 : vector<1x1x16xf32> to vector<16xf32>
        %add3A_399 = arith.addf %add3A_369, %get3A_398 : vector<16xf32>
        %get3A_400 = arith.constant 3 : i32
        %get3A_401 = arith.index_cast %get3A_400 : i32 to index
        %get3A_402 = arith.index_cast %scan3A_385 : i32 to index
        %get3A_403 = arith.constant 32 : index
        %get3A_404 = tpu.vector_load %arg6[%get3A_401, %get3A_402, %get3A_403] {strides = array<i32>} : memref<4x200x64xf32, #tpu.memory_space<vmem>>, vector<1x1x16xf32>,
        %get3A_405 = vector.shape_cast %get3A_404 : vector<1x1x16xf32> to vector<16xf32>
        %add3A_406 = arith.addf %add3A_376, %get3A_405 : vector<16xf32>
        %get3A_407 = arith.constant 3 : i32
        %get3A_408 = arith.index_cast %get3A_407 : i32 to index
        %get3A_409 = arith.index_cast %scan3A_385 : i32 to index
        %get3A_410 = arith.constant 48 : index
        %get3A_411 = tpu.vector_load %arg6[%get3A_408, %get3A_409, %get3A_410] {strides = array<i32>} : memref<4x200x64xf32, #tpu.memory_space<vmem>>, vector<1x1x16xf32>,
        %get3A_412 = vector.shape_cast %get3A_411 : vector<1x1x16xf32> to vector<16xf32>
        %add3A_413 = arith.addf %add3A_383, %get3A_412 : vector<16xf32>
        %scan3A_414 = arith.constant 2 : i32
        %scan3A_415 = arith.addi %scan3A_352, %scan3A_414 : i32
        %get3A_416 = arith.constant 3 : i32
        %get3A_417 = arith.index_cast %get3A_416 : i32 to index
        %get3A_418 = arith.index_cast %scan3A_415 : i32 to index
        %get3A_419 = arith.constant 0 : index
        %get3A_420 = tpu.vector_load %arg6[%get3A_417, %get3A_418, %get3A_419] {strides = array<i32>} : memref<4x200x64xf32, #tpu.memory_space<vmem>>, vector<1x1x16xf32>,
        %get3A_421 = vector.shape_cast %get3A_420 : vector<1x1x16xf32> to vector<16xf32>
        %add3A_422 = arith.addf %add3A_392, %get3A_421 : vector<16xf32>
        %get3A_423 = arith.constant 3 : i32
        %get3A_424 = arith.index_cast %get3A_423 : i32 to index
        %get3A_425 = arith.index_cast %scan3A_415 : i32 to index
        %get3A_426 = arith.constant 16 : index
        %get3A_427 = tpu.vector_load %arg6[%get3A_424, %get3A_425, %get3A_426] {strides = array<i32>} : memref<4x200x64xf32, #tpu.memory_space<vmem>>, vector<1x1x16xf32>,
        %get3A_428 = vector.shape_cast %get3A_427 : vector<1x1x16xf32> to vector<16xf32>
        %add3A_429 = arith.addf %add3A_399, %get3A_428 : vector<16xf32>
        %get3A_430 = arith.constant 3 : i32
        %get3A_431 = arith.index_cast %get3A_430 : i32 to index
        %get3A_432 = arith.index_cast %scan3A_415 : i32 to index
        %get3A_433 = arith.constant 32 : index
        %get3A_434 = tpu.vector_load %arg6[%get3A_431, %get3A_432, %get3A_433] {strides = array<i32>} : memref<4x200x64xf32, #tpu.memory_space<vmem>>, vector<1x1x16xf32>,
        %get3A_435 = vector.shape_cast %get3A_434 : vector<1x1x16xf32> to vector<16xf32>
        %add3A_436 = arith.addf %add3A_406, %get3A_435 : vector<16xf32>
        %get3A_437 = arith.constant 3 : i32
        %get3A_438 = arith.index_cast %get3A_437 : i32 to index
        %get3A_439 = arith.index_cast %scan3A_415 : i32 to index
        %get3A_440 = arith.constant 48 : index
        %get3A_441 = tpu.vector_load %arg6[%get3A_438, %get3A_439, %get3A_440] {strides = array<i32>} : memref<4x200x64xf32, #tpu.memory_space<vmem>>, vector<1x1x16xf32>,
        %get3A_442 = vector.shape_cast %get3A_441 : vector<1x1x16xf32> to vector<16xf32>
        %add3A_443 = arith.addf %add3A_413, %get3A_442 : vector<16xf32>
        %scan3A_444 = arith.constant 3 : i32
        %scan3A_445 = arith.addi %scan3A_352, %scan3A_444 : i32
        %get3A_446 = arith.constant 3 : i32
        %get3A_447 = arith.index_cast %get3A_446 : i32 to index
        %get3A_448 = arith.index_cast %scan3A_445 : i32 to index
        %get3A_449 = arith.constant 0 : index
        %get3A_450 = tpu.vector_load %arg6[%get3A_447, %get3A_448, %get3A_449] {strides = array<i32>} : memref<4x200x64xf32, #tpu.memory_space<vmem>>, vector<1x1x16xf32>,
        %get3A_451 = vector.shape_cast %get3A_450 : vector<1x1x16xf32> to vector<16xf32>
        %add3A_452 = arith.addf %add3A_422, %get3A_451 : vector<16xf32>
        %get3A_453 = arith.constant 3 : i32
        %get3A_454 = arith.index_cast %get3A_453 : i32 to index
        %get3A_455 = arith.index_cast %scan3A_445 : i32 to index
        %get3A_456 = arith.constant 16 : index
        %get3A_457 = tpu.vector_load %arg6[%get3A_454, %get3A_455, %get3A_456] {strides = array<i32>} : memref<4x200x64xf32, #tpu.memory_space<vmem>>, vector<1x1x16xf32>,
        %get3A_458 = vector.shape_cast %get3A_457 : vector<1x1x16xf32> to vector<16xf32>
        %add3A_459 = arith.addf %add3A_429, %get3A_458 : vector<16xf32>
        %get3A_460 = arith.constant 3 : i32
        %get3A_461 = arith.index_cast %get3A_460 : i32 to index
        %get3A_462 = arith.index_cast %scan3A_445 : i32 to index
        %get3A_463 = arith.constant 32 : index
        %get3A_464 = tpu.vector_load %arg6[%get3A_461, %get3A_462, %get3A_463] {strides = array<i32>} : memref<4x200x64xf32, #tpu.memory_space<vmem>>, vector<1x1x16xf32>,
        %get3A_465 = vector.shape_cast %get3A_464 : vector<1x1x16xf32> to vector<16xf32>
        %add3A_466 = arith.addf %add3A_436, %get3A_465 : vector<16xf32>
        %get3A_467 = arith.constant 3 : i32
        %get3A_468 = arith.index_cast %get3A_467 : i32 to index
        %get3A_469 = arith.index_cast %scan3A_445 : i32 to index
        %get3A_470 = arith.constant 48 : index
        %get3A_471 = tpu.vector_load %arg6[%get3A_468, %get3A_469, %get3A_470] {strides = array<i32>} : memref<4x200x64xf32, #tpu.memory_space<vmem>>, vector<1x1x16xf32>,
        %get3A_472 = vector.shape_cast %get3A_471 : vector<1x1x16xf32> to vector<16xf32>
        %add3A_473 = arith.addf %add3A_443, %get3A_472 : vector<16xf32>
        %scan3A_474 = arith.constant 4 : i32
        %scan3A_475 = arith.addi %scan3A_352, %scan3A_474 : i32
        %get3A_476 = arith.constant 3 : i32
        %get3A_477 = arith.index_cast %get3A_476 : i32 to index
        %get3A_478 = arith.index_cast %scan3A_475 : i32 to index
        %get3A_479 = arith.constant 0 : index
        %get3A_480 = tpu.vector_load %arg6[%get3A_477, %get3A_478, %get3A_479] {strides = array<i32>} : memref<4x200x64xf32, #tpu.memory_space<vmem>>, vector<1x1x16xf32>,
        %get3A_481 = vector.shape_cast %get3A_480 : vector<1x1x16xf32> to vector<16xf32>
        %add3A_482 = arith.addf %add3A_452, %get3A_481 : vector<16xf32>
        %get3A_483 = arith.constant 3 : i32
        %get3A_484 = arith.index_cast %get3A_483 : i32 to index
        %get3A_485 = arith.index_cast %scan3A_475 : i32 to index
        %get3A_486 = arith.constant 16 : index
        %get3A_487 = tpu.vector_load %arg6[%get3A_484, %get3A_485, %get3A_486] {strides = array<i32>} : memref<4x200x64xf32, #tpu.memory_space<vmem>>, vector<1x1x16xf32>,
        %get3A_488 = vector.shape_cast %get3A_487 : vector<1x1x16xf32> to vector<16xf32>
        %add3A_489 = arith.addf %add3A_459, %get3A_488 : vector<16xf32>
        %get3A_490 = arith.constant 3 : i32
        %get3A_491 = arith.index_cast %get3A_490 : i32 to index
        %get3A_492 = arith.index_cast %scan3A_475 : i32 to index
        %get3A_493 = arith.constant 32 : index
        %get3A_494 = tpu.vector_load %arg6[%get3A_491, %get3A_492, %get3A_493] {strides = array<i32>} : memref<4x200x64xf32, #tpu.memory_space<vmem>>, vector<1x1x16xf32>,
        %get3A_495 = vector.shape_cast %get3A_494 : vector<1x1x16xf32> to vector<16xf32>
        %add3A_496 = arith.addf %add3A_466, %get3A_495 : vector<16xf32>
        %get3A_497 = arith.constant 3 : i32
        %get3A_498 = arith.index_cast %get3A_497 : i32 to index
        %get3A_499 = arith.index_cast %scan3A_475 : i32 to index
        %get3A_500 = arith.constant 48 : index
        %get3A_501 = tpu.vector_load %arg6[%get3A_498, %get3A_499, %get3A_500] {strides = array<i32>} : memref<4x200x64xf32, #tpu.memory_space<vmem>>, vector<1x1x16xf32>,
        %get3A_502 = vector.shape_cast %get3A_501 : vector<1x1x16xf32> to vector<16xf32>
        %add3A_503 = arith.addf %add3A_473, %get3A_502 : vector<16xf32>
        %scan3A_504 = arith.constant 5 : i32
        %scan3A_505 = arith.addi %scan3A_352, %scan3A_504 : i32
        %get3A_506 = arith.constant 3 : i32
        %get3A_507 = arith.index_cast %get3A_506 : i32 to index
        %get3A_508 = arith.index_cast %scan3A_505 : i32 to index
        %get3A_509 = arith.constant 0 : index
        %get3A_510 = tpu.vector_load %arg6[%get3A_507, %get3A_508, %get3A_509] {strides = array<i32>} : memref<4x200x64xf32, #tpu.memory_space<vmem>>, vector<1x1x16xf32>,
        %get3A_511 = vector.shape_cast %get3A_510 : vector<1x1x16xf32> to vector<16xf32>
        %add3A_512 = arith.addf %add3A_482, %get3A_511 : vector<16xf32>
        %get3A_513 = arith.constant 3 : i32
        %get3A_514 = arith.index_cast %get3A_513 : i32 to index
        %get3A_515 = arith.index_cast %scan3A_505 : i32 to index
        %get3A_516 = arith.constant 16 : index
        %get3A_517 = tpu.vector_load %arg6[%get3A_514, %get3A_515, %get3A_516] {strides = array<i32>} : memref<4x200x64xf32, #tpu.memory_space<vmem>>, vector<1x1x16xf32>,
        %get3A_518 = vector.shape_cast %get3A_517 : vector<1x1x16xf32> to vector<16xf32>
        %add3A_519 = arith.addf %add3A_489, %get3A_518 : vector<16xf32>
        %get3A_520 = arith.constant 3 : i32
        %get3A_521 = arith.index_cast %get3A_520 : i32 to index
        %get3A_522 = arith.index_cast %scan3A_505 : i32 to index
        %get3A_523 = arith.constant 32 : index
        %get3A_524 = tpu.vector_load %arg6[%get3A_521, %get3A_522, %get3A_523] {strides = array<i32>} : memref<4x200x64xf32, #tpu.memory_space<vmem>>, vector<1x1x16xf32>,
        %get3A_525 = vector.shape_cast %get3A_524 : vector<1x1x16xf32> to vector<16xf32>
        %add3A_526 = arith.addf %add3A_496, %get3A_525 : vector<16xf32>
        %get3A_527 = arith.constant 3 : i32
        %get3A_528 = arith.index_cast %get3A_527 : i32 to index
        %get3A_529 = arith.index_cast %scan3A_505 : i32 to index
        %get3A_530 = arith.constant 48 : index
        %get3A_531 = tpu.vector_load %arg6[%get3A_528, %get3A_529, %get3A_530] {strides = array<i32>} : memref<4x200x64xf32, #tpu.memory_space<vmem>>, vector<1x1x16xf32>,
        %get3A_532 = vector.shape_cast %get3A_531 : vector<1x1x16xf32> to vector<16xf32>
        %add3A_533 = arith.addf %add3A_503, %get3A_532 : vector<16xf32>
        %scan3A_534 = arith.constant 6 : i32
        %scan3A_535 = arith.addi %scan3A_352, %scan3A_534 : i32
        %get3A_536 = arith.constant 3 : i32
        %get3A_537 = arith.index_cast %get3A_536 : i32 to index
        %get3A_538 = arith.index_cast %scan3A_535 : i32 to index
        %get3A_539 = arith.constant 0 : index
        %get3A_540 = tpu.vector_load %arg6[%get3A_537, %get3A_538, %get3A_539] {strides = array<i32>} : memref<4x200x64xf32, #tpu.memory_space<vmem>>, vector<1x1x16xf32>,
        %get3A_541 = vector.shape_cast %get3A_540 : vector<1x1x16xf32> to vector<16xf32>
        %add3A_542 = arith.addf %add3A_512, %get3A_541 : vector<16xf32>
        %get3A_543 = arith.constant 3 : i32
        %get3A_544 = arith.index_cast %get3A_543 : i32 to index
        %get3A_545 = arith.index_cast %scan3A_535 : i32 to index
        %get3A_546 = arith.constant 16 : index
        %get3A_547 = tpu.vector_load %arg6[%get3A_544, %get3A_545, %get3A_546] {strides = array<i32>} : memref<4x200x64xf32, #tpu.memory_space<vmem>>, vector<1x1x16xf32>,
        %get3A_548 = vector.shape_cast %get3A_547 : vector<1x1x16xf32> to vector<16xf32>
        %add3A_549 = arith.addf %add3A_519, %get3A_548 : vector<16xf32>
        %get3A_550 = arith.constant 3 : i32
        %get3A_551 = arith.index_cast %get3A_550 : i32 to index
        %get3A_552 = arith.index_cast %scan3A_535 : i32 to index
        %get3A_553 = arith.constant 32 : index
        %get3A_554 = tpu.vector_load %arg6[%get3A_551, %get3A_552, %get3A_553] {strides = array<i32>} : memref<4x200x64xf32, #tpu.memory_space<vmem>>, vector<1x1x16xf32>,
        %get3A_555 = vector.shape_cast %get3A_554 : vector<1x1x16xf32> to vector<16xf32>
        %add3A_556 = arith.addf %add3A_526, %get3A_555 : vector<16xf32>
        %get3A_557 = arith.constant 3 : i32
        %get3A_558 = arith.index_cast %get3A_557 : i32 to index
        %get3A_559 = arith.index_cast %scan3A_535 : i32 to index
        %get3A_560 = arith.constant 48 : index
        %get3A_561 = tpu.vector_load %arg6[%get3A_558, %get3A_559, %get3A_560] {strides = array<i32>} : memref<4x200x64xf32, #tpu.memory_space<vmem>>, vector<1x1x16xf32>,
        %get3A_562 = vector.shape_cast %get3A_561 : vector<1x1x16xf32> to vector<16xf32>
        %add3A_563 = arith.addf %add3A_533, %get3A_562 : vector<16xf32>
        %scan3A_564 = arith.constant 7 : i32
        %scan3A_565 = arith.addi %scan3A_352, %scan3A_564 : i32
        %get3A_566 = arith.constant 3 : i32
        %get3A_567 = arith.index_cast %get3A_566 : i32 to index
        %get3A_568 = arith.index_cast %scan3A_565 : i32 to index
        %get3A_569 = arith.constant 0 : index
        %get3A_570 = tpu.vector_load %arg6[%get3A_567, %get3A_568, %get3A_569] {strides = array<i32>} : memref<4x200x64xf32, #tpu.memory_space<vmem>>, vector<1x1x16xf32>,
        %get3A_571 = vector.shape_cast %get3A_570 : vector<1x1x16xf32> to vector<16xf32>
        %add3A_572 = arith.addf %add3A_542, %get3A_571 : vector<16xf32>
        %get3A_573 = arith.constant 3 : i32
        %get3A_574 = arith.index_cast %get3A_573 : i32 to index
        %get3A_575 = arith.index_cast %scan3A_565 : i32 to index
        %get3A_576 = arith.constant 16 : index
        %get3A_577 = tpu.vector_load %arg6[%get3A_574, %get3A_575, %get3A_576] {strides = array<i32>} : memref<4x200x64xf32, #tpu.memory_space<vmem>>, vector<1x1x16xf32>,
        %get3A_578 = vector.shape_cast %get3A_577 : vector<1x1x16xf32> to vector<16xf32>
        %add3A_579 = arith.addf %add3A_549, %get3A_578 : vector<16xf32>
        %get3A_580 = arith.constant 3 : i32
        %get3A_581 = arith.index_cast %get3A_580 : i32 to index
        %get3A_582 = arith.index_cast %scan3A_565 : i32 to index
        %get3A_583 = arith.constant 32 : index
        %get3A_584 = tpu.vector_load %arg6[%get3A_581, %get3A_582, %get3A_583] {strides = array<i32>} : memref<4x200x64xf32, #tpu.memory_space<vmem>>, vector<1x1x16xf32>,
        %get3A_585 = vector.shape_cast %get3A_584 : vector<1x1x16xf32> to vector<16xf32>
        %add3A_586 = arith.addf %add3A_556, %get3A_585 : vector<16xf32>
        %get3A_587 = arith.constant 3 : i32
        %get3A_588 = arith.index_cast %get3A_587 : i32 to index
        %get3A_589 = arith.index_cast %scan3A_565 : i32 to index
        %get3A_590 = arith.constant 48 : index
        %get3A_591 = tpu.vector_load %arg6[%get3A_588, %get3A_589, %get3A_590] {strides = array<i32>} : memref<4x200x64xf32, #tpu.memory_space<vmem>>, vector<1x1x16xf32>,
        %get3A_592 = vector.shape_cast %get3A_591 : vector<1x1x16xf32> to vector<16xf32>
        %add3A_593 = arith.addf %add3A_563, %get3A_592 : vector<16xf32>
        scf.yield %add3A_572, %add3A_579, %add3A_586, %add3A_593 : vector<16xf32>, vector<16xf32>, vector<16xf32>, vector<16xf32>
      }
      %scan3A_324 = arith.constant 200 : i32
      %swap3A_325 = arith.index_cast %add3A_292 : i32 to index
      %swap3A_326 = arith.constant 0 : index
      %swap3A_327 = tpu.vector_load %arg7[%swap3A_325, %swap3A_326] {strides = array<i32>} : memref<128x64xf32, #tpu.memory_space<vmem>>, vector<1x16xf32>,
      %swap3A_328 = vector.shape_cast %swap3A_327 : vector<1x16xf32> to vector<16xf32>
      %swap3A_329 = vector.shape_cast %scan3A_323#0 : vector<16xf32> to vector<1x16xf32>
      tpu.vector_store %arg7[%swap3A_325, %swap3A_326], %swap3A_329 {strides = array<i32>} : memref<128x64xf32, #tpu.memory_space<vmem>>, vector<1x16xf32>,
      %swap3A_330 = arith.index_cast %add3A_292 : i32 to index
      %swap3A_331 = arith.constant 16 : index
      %swap3A_332 = tpu.vector_load %arg7[%swap3A_330, %swap3A_331] {strides = array<i32>} : memref<128x64xf32, #tpu.memory_space<vmem>>, vector<1x16xf32>,
      %swap3A_333 = vector.shape_cast %swap3A_332 : vector<1x16xf32> to vector<16xf32>
      %swap3A_334 = vector.shape_cast %scan3A_323#1 : vector<16xf32> to vector<1x16xf32>
      tpu.vector_store %arg7[%swap3A_330, %swap3A_331], %swap3A_334 {strides = array<i32>} : memref<128x64xf32, #tpu.memory_space<vmem>>, vector<1x16xf32>,
      %swap3A_335 = arith.index_cast %add3A_292 : i32 to index
      %swap3A_336 = arith.constant 32 : index
      %swap3A_337 = tpu.vector_load %arg7[%swap3A_335, %swap3A_336] {strides = array<i32>} : memref<128x64xf32, #tpu.memory_space<vmem>>, vector<1x16xf32>,
      %swap3A_338 = vector.shape_cast %swap3A_337 : vector<1x16xf32> to vector<16xf32>
      %swap3A_339 = vector.shape_cast %scan3A_323#2 : vector<16xf32> to vector<1x16xf32>
      tpu.vector_store %arg7[%swap3A_335, %swap3A_336], %swap3A_339 {strides = array<i32>} : memref<128x64xf32, #tpu.memory_space<vmem>>, vector<1x16xf32>,
      %swap3A_340 = arith.index_cast %add3A_292 : i32 to index
      %swap3A_341 = arith.constant 48 : index
      %swap3A_342 = tpu.vector_load %arg7[%swap3A_340, %swap3A_341] {strides = array<i32>} : memref<128x64xf32, #tpu.memory_space<vmem>>, vector<1x16xf32>,
      %swap3A_343 = vector.shape_cast %swap3A_342 : vector<1x16xf32> to vector<16xf32>
      %swap3A_344 = vector.shape_cast %scan3A_323#3 : vector<16xf32> to vector<1x16xf32>
      tpu.vector_store %arg7[%swap3A_340, %swap3A_341], %swap3A_344 {strides = array<i32>} : memref<128x64xf32, #tpu.memory_space<vmem>>, vector<1x16xf32>,
      %add3A_345 = arith.constant 4 : i32
      %add3A_346 = arith.addi %add3A_292, %add3A_345 : i32
      %lt3A_347 = arith.constant 128 : i32
      %lt3A_348 = arith.cmpi slt, %add3A_346, %lt3A_347 : i32
      %convert_element_type3A_349 = arith.extui %lt3A_348 : i1 to i32
      %cond3A_350 = arith.constant 0 : i32
      %cond3A_351 = arith.cmpi ne, %convert_element_type3A_349, %cond3A_350 : i32
      scf.if %cond3A_351 {
        %add3A_352 = arith.constant 4 : i32
        %add3A_353 = arith.addi %add3A_292, %add3A_352 : i32
        %mul3A_354 = arith.constant 2 : i32
        %mul3A_355 = arith.muli %mul3A_354, %add3A_353 : i32
        %dma_start3A_356 = arith.constant 3 : i32
        %dma_start3A_357 = arith.constant 0 : i32
        %dma_start3A_358 = arith.constant 0 : i32
        %dma_start3A_359 = tpu.memref_slice %arg6[%dma_start3A_356, %dma_start3A_357, %dma_start3A_358] : memref<4x200x64xf32, #tpu.memory_space<vmem>> -> memref<1x100x64xf32, #tpu.memory_space<vmem>>
        %dma_start3A_360 = tpu.memref_squeeze %dma_start3A_359 : memref<1x100x64xf32, #tpu.memory_space<vmem>> -> memref<100x64xf32, #tpu.memory_space<vmem>>
        %dma_start3A_361 = arith.constant 0 : i32
        %dma_start3A_362 = tpu.memref_slice %arg5[%mul3A_355, %dma_start3A_361] : memref<256x100xi32, #tpu.memory_space<vmem>> -> memref<1x100xi32, #tpu.memory_space<vmem>>
        %dma_start3A_363 = tpu.memref_squeeze %dma_start3A_362 : memref<1x100xi32, #tpu.memory_space<vmem>> -> memref<100xi32, #tpu.memory_space<vmem>>
        %dma_start3A_364 = arith.constant 0 : i32
        %dma_start3A_365 = arith.constant 0 : i32
        %dma_start3A_366 = tpu.memref_slice %arg3[%dma_start3A_364, %dma_start3A_365] : memref<1015808x64xf32, #tpu.memory_space<hbm>> -> memref<1015808x64xf32, #tpu.memory_space<hbm>>
        tpu.enqueue_indirect_dma source(%dma_start3A_366 : memref<1015808x64xf32, #tpu.memory_space<hbm>>) target(%dma_start3A_360 : memref<100x64xf32, #tpu.memory_space<vmem>>) offsets(%dma_start3A_363 : memref<100xi32, #tpu.memory_space<vmem>>) semaphore(%arg11 : memref<!tpu.dma_semaphore, #tpu.memory_space<semaphore_mem>>)
        %mul3A_367 = arith.constant 2 : i32
        %mul3A_368 = arith.muli %mul3A_367, %add3A_353 : i32
        %add3A_369 = arith.constant 1 : i32
        %add3A_370 = arith.addi %mul3A_368, %add3A_369 : i32
        %dma_start3A_371 = arith.constant 3 : i32
        %dma_start3A_372 = arith.constant 100 : i32
        %dma_start3A_373 = arith.constant 0 : i32
        %dma_start3A_374 = tpu.memref_slice %arg6[%dma_start3A_371, %dma_start3A_372, %dma_start3A_373] : memref<4x200x64xf32, #tpu.memory_space<vmem>> -> memref<1x100x64xf32, #tpu.memory_space<vmem>>
        %dma_start3A_375 = tpu.memref_squeeze %dma_start3A_374 : memref<1x100x64xf32, #tpu.memory_space<vmem>> -> memref<100x64xf32, #tpu.memory_space<vmem>>
        %dma_start3A_376 = arith.constant 0 : i32
        %dma_start3A_377 = tpu.memref_slice %arg5[%add3A_370, %dma_start3A_376] : memref<256x100xi32, #tpu.memory_space<vmem>> -> memref<1x100xi32, #tpu.memory_space<vmem>>
        %dma_start3A_378 = tpu.memref_squeeze %dma_start3A_377 : memref<1x100xi32, #tpu.memory_space<vmem>> -> memref<100xi32, #tpu.memory_space<vmem>>
        %dma_start3A_379 = arith.constant 0 : i32
        %dma_start3A_380 = arith.constant 0 : i32
        %dma_start3A_381 = tpu.memref_slice %arg3[%dma_start3A_379, %dma_start3A_380] : memref<1015808x64xf32, #tpu.memory_space<hbm>> -> memref<1015808x64xf32, #tpu.memory_space<hbm>>
        tpu.enqueue_indirect_dma source(%dma_start3A_381 : memref<1015808x64xf32, #tpu.memory_space<hbm>>) target(%dma_start3A_375 : memref<100x64xf32, #tpu.memory_space<vmem>>) offsets(%dma_start3A_378 : memref<100xi32, #tpu.memory_space<vmem>>) semaphore(%arg11 : memref<!tpu.dma_semaphore, #tpu.memory_space<semaphore_mem>>)
      } else {
      }
    }
    %scan3A_102 = arith.constant 32 : i32
    %mul3A_103 = arith.constant 128 : i32
    %mul3A_104 = arith.muli %add3A, %mul3A_103 : i32
    "tpu.region"() ({
      %run_scoped3A = tpu.sem_alloc : memref<!tpu.dma_semaphore, #tpu.memory_space<semaphore_mem>>
      %dma_start3A_105 = arith.constant 0 : i32
      %dma_start3A_106 = tpu.memref_slice %arg4[%mul3A_104, %dma_start3A_105] : memref<4096x64xf32, #tpu.memory_space<hbm>> -> memref<128x64xf32, #tpu.memory_space<hbm>>
      %dma_start3A_107 = arith.constant 0 : i32
      %dma_start3A_108 = tpu.memref_slice %arg4[%mul3A_104, %dma_start3A_107] : memref<4096x64xf32, #tpu.memory_space<hbm>> -> memref<128x64xf32, #tpu.memory_space<hbm>>
      tpu.enqueue_dma source(%arg7 : memref<128x64xf32, #tpu.memory_space<vmem>>) target(%dma_start3A_108 : memref<128x64xf32, #tpu.memory_space<hbm>>) target_semaphore(%run_scoped3A : memref<!tpu.dma_semaphore, #tpu.memory_space<semaphore_mem>>)
      %dma_wait3A = arith.constant 0 : i32
      %dma_wait3A_109 = tpu.memref_slice %arg4[%mul3A_104, %dma_wait3A] : memref<4096x64xf32, #tpu.memory_space<hbm>> -> memref<128x64xf32, #tpu.memory_space<hbm>>
      %dma_wait3A_110 = arith.constant 0 : i32
      %dma_wait3A_111 = tpu.memref_slice %arg4[%mul3A_104, %dma_wait3A_110] : memref<4096x64xf32, #tpu.memory_space<hbm>> -> memref<128x64xf32, #tpu.memory_space<hbm>>
      tpu.wait_dma2 semaphore(%run_scoped3A : memref<!tpu.dma_semaphore, #tpu.memory_space<semaphore_mem>>) src(%arg7 : memref<128x64xf32, #tpu.memory_space<vmem>>) dst(%dma_wait3A_111 : memref<128x64xf32, #tpu.memory_space<hbm>>)
      tpu.yield
    }) : () -> ()
    return
  }
}

module attributes {stable_mosaic.version = 14 : i64} {
  func.func @_remap_body(%arg0: i32, %arg1: memref<1024x100xi32, #tpu.memory_space<vmem>>, %arg2: memref<1024x100xi32, #tpu.memory_space<vmem>>) attributes {dimension_semantics = [#tpu.dimension_semantics<arbitrary>], iteration_bounds = array<i64: 8>, scalar_prefetch = 0 : i64, scratch_operands = 0 : i64, tpu.core_type = #tpu.core_type<tc>, window_params = [{transform_indices = @transform_0, window_bounds = array<i64: 1024, 100>}, {transform_indices = @transform_1, window_bounds = array<i64: 1024, 100>}]} {
    %get3A = arith.constant 0 : index
    %get3A_0 = arith.constant 0 : index
    %get3A_1 = vector.load %arg1[%get3A, %get3A_0] : memref<1024x100xi32, #tpu.memory_space<vmem>>, vector<1024x100xi32>
    %mul3A = arith.constant 2 : i32
    %mul3A_2 = vector.broadcast %mul3A : i32 to vector<1024x100xi32>
    %mul3A_3 = arith.muli %mul3A_2, %get3A_1 : vector<1024x100xi32>
    %ge3A = arith.constant 507904 : i32
    %ge3A_4 = vector.broadcast %ge3A : i32 to vector<1024x100xi32>
    %ge3A_5 = arith.cmpi sge, %get3A_1, %ge3A_4 : vector<1024x100xi32>
    %jit3A = arith.constant 1015807 : i32
    %jit3A_6 = arith.constant 0 : i32
    %broadcast_in_dim3A = vector.broadcast %jit3A : i32 to vector<1024x100xi32>
    %broadcast_in_dim3A_7 = vector.broadcast %jit3A_6 : i32 to vector<1024x100xi32>
    %select_n3A = arith.select %ge3A_5, %broadcast_in_dim3A, %broadcast_in_dim3A_7 : vector<1024x100xi1>, vector<1024x100xi32>
    %sub3A = arith.subi %mul3A_3, %select_n3A : vector<1024x100xi32>
    %swap3A = arith.constant 0 : index
    %swap3A_8 = arith.constant 0 : index
    %swap3A_9 = vector.load %arg2[%swap3A, %swap3A_8] : memref<1024x100xi32, #tpu.memory_space<vmem>>, vector<1024x100xi32>
    tpu.vector_store %arg2[%swap3A, %swap3A_8], %sub3A {strides = array<i32>} : memref<1024x100xi32, #tpu.memory_space<vmem>>, vector<1024x100xi32>,
    return
  }
  func.func @transform_0(%arg0: i32) -> (i32, i32) {
    %c0_i32 = arith.constant 0 : i32
    %c0_i32_0 = arith.constant 0 : i32
    return %arg0, %c0_i32 : i32, i32
  }
  func.func @transform_1(%arg0: i32) -> (i32, i32) {
    %c0_i32 = arith.constant 0 : i32
    %c0_i32_0 = arith.constant 0 : i32
    return %arg0, %c0_i32 : i32, i32
  }
}

module attributes {stable_mosaic.version = 14 : i64} {
  func.func @_xpose_body(%arg0: i32, %arg1: memref<64x8192xf32, #tpu.memory_space<vmem>>, %arg2: memref<64x8192xf32, #tpu.memory_space<vmem>>, %arg3: memref<8192x128xf32, #tpu.memory_space<vmem>>) attributes {dimension_semantics = [#tpu.dimension_semantics<arbitrary>], iteration_bounds = array<i64: 62>, scalar_prefetch = 0 : i64, scratch_operands = 0 : i64, tpu.core_type = #tpu.core_type<tc>, window_params = [{transform_indices = @transform_0, window_bounds = array<i64: 64, 8192>}, {transform_indices = @transform_1, window_bounds = array<i64: 64, 8192>}, {transform_indices = @transform_2, window_bounds = array<i64: 8192, 128>}]} {
    %get3A = arith.constant 0 : index
    %get3A_0 = arith.constant 0 : index
    %get3A_1 = vector.load %arg1[%get3A, %get3A_0] : memref<64x8192xf32, #tpu.memory_space<vmem>>, vector<64x8192xf32>
    %transpose3A = tpu.transpose %get3A_1, [1, 0] : vector<64x8192xf32> -> vector<8192x64xf32>
    %get3A_2 = arith.constant 0 : index
    %get3A_3 = arith.constant 0 : index
    %get3A_4 = vector.load %arg2[%get3A_2, %get3A_3] : memref<64x8192xf32, #tpu.memory_space<vmem>>, vector<64x8192xf32>
    %transpose3A_5 = tpu.transpose %get3A_4, [1, 0] : vector<64x8192xf32> -> vector<8192x64xf32>
    %concatenate3A = tpu.concatenate %transpose3A, %transpose3A_5 in 1 : vector<8192x64xf32>, vector<8192x64xf32> -> vector<8192x128xf32>
    %swap3A = arith.constant 0 : index
    %swap3A_6 = arith.constant 0 : index
    %swap3A_7 = vector.load %arg3[%swap3A, %swap3A_6] : memref<8192x128xf32, #tpu.memory_space<vmem>>, vector<8192x128xf32>
    tpu.vector_store %arg3[%swap3A, %swap3A_6], %concatenate3A {strides = array<i32>} : memref<8192x128xf32, #tpu.memory_space<vmem>>, vector<8192x128xf32>,
    %eq3A = arith.constant 0 : i32
    %eq3A_8 = arith.cmpi eq, %arg0, %eq3A : i32
    %convert_element_type3A = arith.extui %eq3A_8 : i1 to i32
    %cond3A = arith.constant 0 : i32
    %cond3A_9 = arith.cmpi ne, %convert_element_type3A, %cond3A : i32
    scf.if %cond3A_9 {
      %broadcast_in_dim3A = arith.constant 0.000000e+00 : f32
      %broadcast_in_dim3A_10 = vector.broadcast %broadcast_in_dim3A : f32 to vector<1x64xf32>
      %swap3A_11 = arith.constant 0 : index
      %swap3A_12 = arith.constant 0 : index
      %swap3A_13 = vector.load %arg3[%swap3A_11, %swap3A_12] : memref<8192x128xf32, #tpu.memory_space<vmem>>, vector<1x64xf32>
      tpu.vector_store %arg3[%swap3A_11, %swap3A_12], %broadcast_in_dim3A_10 {strides = array<i32>} : memref<8192x128xf32, #tpu.memory_space<vmem>>, vector<1x64xf32>,
    } else {
    }
    return
  }
  func.func @transform_0(%arg0: i32) -> (i32, i32) {
    %c0_i32 = arith.constant 0 : i32
    %c0_i32_0 = arith.constant 0 : i32
    return %c0_i32, %arg0 : i32, i32
  }
  func.func @transform_1(%arg0: i32) -> (i32, i32) {
    %add3A = arith.constant 62 : i32
    %add3A_0 = arith.addi %arg0, %add3A : i32
    %min3A = arith.constant 122 : i32
    %min3A_1 = arith.minsi %add3A_0, %min3A : i32
    %c0_i32 = arith.constant 0 : i32
    %c0_i32_2 = arith.constant 0 : i32
    return %c0_i32, %min3A_1 : i32, i32
  }
  func.func @transform_2(%arg0: i32) -> (i32, i32) {
    %c0_i32 = arith.constant 0 : i32
    %c0_i32_0 = arith.constant 0 : i32
    return %arg0, %c0_i32 : i32, i32
  }
}

module attributes {stable_mosaic.version = 14 : i64} {
  func.func @_mlp_body(%arg0: i32, %arg1: memref<4096x64xf32, #tpu.memory_space<vmem>>, %arg2: memref<128x64xf32, #tpu.memory_space<vmem>>, %arg3: memref<1x128xf32, #tpu.memory_space<vmem>>, %arg4: memref<1x128xf32, #tpu.memory_space<vmem>>, %arg5: memref<1x1xf32, #tpu.memory_space<vmem>>, %arg6: memref<4096x1xf32, #tpu.memory_space<vmem>>) attributes {dimension_semantics = [#tpu.dimension_semantics<arbitrary>], iteration_bounds = array<i64: 1>, scalar_prefetch = 0 : i64, scratch_operands = 0 : i64, tpu.core_type = #tpu.core_type<tc>, window_params = [{pipeline_mode = #tpu.pipeline_mode<synchronous>, transform_indices = @transform_0, window_bounds = array<i64: 4096, 64>}, {pipeline_mode = #tpu.pipeline_mode<synchronous>, transform_indices = @transform_1, window_bounds = array<i64: 128, 64>}, {pipeline_mode = #tpu.pipeline_mode<synchronous>, transform_indices = @transform_2, window_bounds = array<i64: 1, 128>}, {pipeline_mode = #tpu.pipeline_mode<synchronous>, transform_indices = @transform_3, window_bounds = array<i64: 1, 128>}, {pipeline_mode = #tpu.pipeline_mode<synchronous>, transform_indices = @transform_4, window_bounds = array<i64: 1, 1>}, {pipeline_mode = #tpu.pipeline_mode<synchronous>, transform_indices = @transform_5, window_bounds = array<i64: 4096, 1>}]} {
    %get3A = arith.constant 0 : index
    %get3A_0 = arith.constant 0 : index
    %get3A_1 = vector.load %arg1[%get3A, %get3A_0] : memref<4096x64xf32, #tpu.memory_space<vmem>>, vector<4096x64xf32>
    %get3A_2 = arith.constant 0 : index
    %get3A_3 = arith.constant 0 : index
    %get3A_4 = vector.load %arg2[%get3A_2, %get3A_3] : memref<128x64xf32, #tpu.memory_space<vmem>>, vector<128x64xf32>
    %dot_general3A = arith.constant dense<0.000000e+00> : vector<4096x128xf32>
    %dot_general3A_5 = tpu.matmul %get3A_1, %get3A_4, %dot_general3A {dimension_numbers = #tpu.dot_dimension_numbers<[1], [1], [0], [0], [0, 0, 1, 0], [], []>, transpose_lhs_hint = false} : vector<4096x64xf32>, vector<128x64xf32>, vector<4096x128xf32> -> vector<4096x128xf32>
    %get3A_6 = arith.constant 0 : index
    %get3A_7 = arith.constant 0 : index
    %get3A_8 = vector.load %arg3[%get3A_6, %get3A_7] : memref<1x128xf32, #tpu.memory_space<vmem>>, vector<1x128xf32>
    %add3A = vector.broadcast %get3A_8 : vector<1x128xf32> to vector<4096x128xf32>
    %add3A_9 = arith.addf %dot_general3A_5, %add3A : vector<4096x128xf32>
    %max3A = arith.constant 0.000000e+00 : f32
    %max3A_10 = vector.broadcast %max3A : f32 to vector<4096x128xf32>
    %max3A_11 = arith.maximumf %add3A_9, %max3A_10 : vector<4096x128xf32>
    %get3A_12 = arith.constant 0 : index
    %get3A_13 = arith.constant 0 : index
    %get3A_14 = vector.load %arg4[%get3A_12, %get3A_13] : memref<1x128xf32, #tpu.memory_space<vmem>>, vector<1x128xf32>
    %mul3A = vector.broadcast %get3A_14 : vector<1x128xf32> to vector<4096x128xf32>
    %mul3A_15 = arith.mulf %max3A_11, %mul3A : vector<4096x128xf32>
    %reduce_sum3A = arith.constant dense<0.000000e+00> : vector<4096xf32>
    %reduce_sum3A_16 = vector.multi_reduction <add>, %mul3A_15, %reduce_sum3A [1] : vector<4096x128xf32> to vector<4096xf32>
    %broadcast_in_dim3A = vector.shape_cast %reduce_sum3A_16 : vector<4096xf32> to vector<4096x1xf32>
    %get3A_17 = arith.constant 0 : index
    %get3A_18 = arith.constant 0 : index
    %get3A_19 = vector.load %arg5[%get3A_17, %get3A_18] : memref<1x1xf32, #tpu.memory_space<vmem>>, vector<1x1xf32>
    %add3A_20 = vector.broadcast %get3A_19 : vector<1x1xf32> to vector<4096x1xf32>
    %add3A_21 = arith.addf %broadcast_in_dim3A, %add3A_20 : vector<4096x1xf32>
    %swap3A = arith.constant 0 : index
    %swap3A_22 = arith.constant 0 : index
    %swap3A_23 = vector.load %arg6[%swap3A, %swap3A_22] : memref<4096x1xf32, #tpu.memory_space<vmem>>, vector<4096x1xf32>
    tpu.vector_store %arg6[%swap3A, %swap3A_22], %add3A_21 {strides = array<i32>} : memref<4096x1xf32, #tpu.memory_space<vmem>>, vector<4096x1xf32>,
    return
  }
  func.func @transform_0(%arg0: i32) -> (i32, i32) {
    %c0_i32 = arith.constant 0 : i32
    %c0_i32_0 = arith.constant 0 : i32
    %c0_i32_1 = arith.constant 0 : i32
    return %c0_i32, %c0_i32_0 : i32, i32
  }
  func.func @transform_1(%arg0: i32) -> (i32, i32) {
    %c0_i32 = arith.constant 0 : i32
    %c0_i32_0 = arith.constant 0 : i32
    %c0_i32_1 = arith.constant 0 : i32
    return %c0_i32, %c0_i32_0 : i32, i32
  }
  func.func @transform_2(%arg0: i32) -> (i32, i32) {
    %c0_i32 = arith.constant 0 : i32
    %c0_i32_0 = arith.constant 0 : i32
    %c0_i32_1 = arith.constant 0 : i32
    return %c0_i32, %c0_i32_0 : i32, i32
  }
  func.func @transform_3(%arg0: i32) -> (i32, i32) {
    %c0_i32 = arith.constant 0 : i32
    %c0_i32_0 = arith.constant 0 : i32
    %c0_i32_1 = arith.constant 0 : i32
    return %c0_i32, %c0_i32_0 : i32, i32
  }
  func.func @transform_4(%arg0: i32) -> (i32, i32) {
    %c0_i32 = arith.constant 0 : i32
    %c0_i32_0 = arith.constant 0 : i32
    %c0_i32_1 = arith.constant 0 : i32
    return %c0_i32, %c0_i32_0 : i32, i32
  }
  func.func @transform_5(%arg0: i32) -> (i32, i32) {
    %c0_i32 = arith.constant 0 : i32
    %c0_i32_0 = arith.constant 0 : i32
    %c0_i32_1 = arith.constant 0 : i32
    return %c0_i32, %c0_i32_0 : i32, i32
  }
}

</mosaic_0001>

<sc_bundles>
// kernel: kernel.6.cloned.1.call-start
scs
__scs_entry_jumppad:
0x0: {  	(pc) =	sbr.rel $0x88, $3  }
0x1: {  	(tag) =	ssettag $0x0;
	lr =	simm.s32 $0x1  }
0x2: {  	[smem:$0x3F9B] =	sst lr;
	_ =	strace $0xD0000000  }
0x3: {  	_ = 	snop  }
0x4: {  	_ = 	snop  }
0x5: {  	_ = 	snop  }
0x6: {  	_ = 	snop  }
0x7: {  	_ = 	snop  }
__scs_overlays_trampoline_lowered:
0x8: {  	[smem:$0x3FAA] =	sst s0  }
0x9: {  	[smem:$0x3FAB] =	sst s1  }
0xa: {  	[smem:$0x3FAC] =	sst s2  }
0xb: {  	[smem:$0x3FAD] =	sst s3  }
0xc: {  	[smem:$0x3FAE] =	sst s4  }
0xd: {  	[smem:$0x3FAF] =	sst s5  }
0xe: {  	[smem:$0x3FB0] =	sst s6  }
0xf: {  	[smem:$0x3FB1] =	sst s7  }
0x10: {  	[smem:$0x3FB2] =	sst s8  }
0x11: {  	[smem:$0x3FB3] =	sst s9;
	s0 =	simm.s32 @!p0 $0x0  }
0x12: {  	s1 =	sld [smem:$0x3F99];
	s0 =	simm.s32 @p0 $0x1  }
0x13: {  	[smem:$0x3FB4] =	sst s0;
	s0 =	simm.s32 @!p1 $0x0  }
0x14: {  	s2 =	sld [smem:$0x3F98];
	s0 =	simm.s32 @p1 $0x1  }
0x15: {  	[smem:$0x3FB5] =	sst s0;
	s0 =	simm.s32 @!p2 $0x0  }
0x16: {  	s3 =	sld [smem:$0x3FDB];
	s0 =	simm.s32 @p2 $0x1  }
0x17: {  	s4 =	simm.s32 $0x1BF5;
	[smem:$0x3FB7] =	sst s0  }
0x18: {  	s0 =	sld [smem:$0x3F9A];
	_ =	swait.ge [sflag:s4], $0x0  }
0x19: {  	s7 =	sld [smem:$0x3F9B]  }
0x1a: {  	s8 =	sadd.s32 $0xFFFFE003, lr  }
0x1b: {  	s9 =	sadd.s32 $0xFFFFFEF7, lr;
	s5 =	simm.s32 $0xFFFFFFFF;
	p2 =	slt.u32 s8, $0xFFFFF086  }
0x1c: {  	p1 =	slt.u32 s9, $0xF7A;
	s5 =	simm.s32 @!p2 $0x0  }
0x1d: {  	s5 =	simm.s32 @p1 $0x1;
	p0 =	seq.s32 s7, s2  }
0x1e: {  	s7 =	smul.u32 @!p0 $0xF7A, s2;
	p2 =	seq.s32 @!p0 s5, $0x0  }
0x1f: {  	s9 =	smul.u32 $0xF7A, s1;
	s8 =	simm.s32 @!p0 $0x1BF5;
	p2 =	por !p2, p0  }
0x20: {  	[sflag:s8] =	ssyncset.s32 @!p0 $0xFFFFF086;
	s6 =	sadd.s32 @!p0 s3, s7;
	s7 =	simm.s32 @!p0 $0x108  }
0x21: {  	s3 =	sadd.s32 s3, s9;
	s6 =	sadd.s32 @!p0 $0x88, s6;
	s7 =	simm.s32 @p2 $0x1082  }
0x22: {  	[simem:s7], [sflag:s8] =	dma.local @!p0 [hbm:s6], $0xF7A  }
0x23: {  	s9 =	sor.u32 $0xD0000000, s2;
	s6 =	simm.s32 $0x108;
	_ =	swait.ge @!p0 [sflag:s8], $0x0  }
0x24: {  	s3 =	sadd.s32 $0x88, s3;
	s6 =	simm.s32 @!p1 $0x1082;
	[sflag:s4] =	ssyncset.s32 $0xFFFFF086  }
0x25: {  	[simem:s6], [sflag:s4] =	dma.local [hbm:s3], $0xF7A  }
0x26: {  	[smem:$0x3F9B] =	sst s1;
	(tag) =	ssettag s2;
	_ =	strace s9  }
0x27: {  	s1 =	sld [smem:$0x3FAB]  }
0x28: {  	s2 =	sld [smem:$0x3FAC]  }
0x29: {  	s4 =	sld [smem:$0x3FAE]  }
0x2a: {  	p0 =	seq.s32 s5, $0x0;
	s5 =	sld [smem:$0x3FAF]  }
0x2b: {  	s6 =	sld [smem:$0x3FB0]  }
0x2c: {  	s7 =	sld [smem:$0x3FB1]  }
0x2d: {  	s3 =	simm.s32 $0x108;
	s8 =	sld [smem:$0x3FB2]  }
0x2e: {  	s3 =	simm.s32 @!p0 $0x1082;
	s9 =	sld [smem:$0x3FB3]  }
0x2f: {  	lr =	sadd.s32 s0, s3;
	s0 =	sld [smem:$0x3FAA]  }
0x30: {  	s3 =	sld [smem:$0x3FAD]  }
0x31: {  	[smem:$0x3FB6] =	sst s10  }
0x32: {  	s10 =	sld [smem:$0x3FB4];
	_ =	sdelay $0x3  }
0x33: {  	p0 =	seq.s32 s10, $0x1;
	s10 =	sld [smem:$0x3FB6];
	_ =	sdelay $0x3  }
0x34: {  	[smem:$0x3FB6] =	sst s10  }
0x35: {  	s10 =	sld [smem:$0x3FB5];
	_ =	sdelay $0x3  }
0x36: {  	p1 =	seq.s32 s10, $0x1;
	s10 =	sld [smem:$0x3FB6];
	_ =	sdelay $0x3  }
0x37: {  	[smem:$0x3FB6] =	sst s10  }
0x38: {  	s10 =	sld [smem:$0x3FB7]  }
0x39: {  	_ = 	snop;
	(pc) =	sbr.ind lr, $3  }
0x3a: {  	_ = 	snop  }
0x3b: {  	_ = 	snop  }
0x3c: {  	p2 =	seq.s32 s10, $0x1;
	s10 =	sld [smem:$0x3FB6]  }
0x3d: {  	_ =	shalt  }
0x3e: {  	_ =	shalt  }
0x3f: {  	_ =	shalt  }
0x40: {  	_ =	shalt  }
0x41: {  	_ =	shalt  }
0x42: {  	_ =	shalt  }
0x43: {  	_ =	shalt  }
0x44: {  	_ =	shalt  }
0x45: {  	_ =	shalt  }
0x46: {  	_ =	shalt  }
0x47: {  	_ =	shalt  }
0x48: {  	_ =	shalt  }
0x49: {  	_ =	shalt  }
0x4a: {  	_ =	shalt  }
0x4b: {  	_ =	shalt  }
0x4c: {  	_ =	shalt  }
0x4d: {  	_ =	shalt  }
0x4e: {  	_ =	shalt  }
0x4f: {  	_ =	shalt  }
0x50: {  	_ =	shalt  }
0x51: {  	_ =	shalt  }
0x52: {  	_ =	shalt  }
0x53: {  	_ =	shalt  }
0x54: {  	_ =	shalt  }
0x55: {  	_ =	shalt  }
0x56: {  	_ =	shalt  }
0x57: {  	_ =	shalt  }
0x58: {  	_ =	shalt  }
0x59: {  	_ =	shalt  }
0x5a: {  	_ =	shalt  }
0x5b: {  	_ =	shalt  }
0x5c: {  	_ =	shalt  }
0x5d: {  	_ =	shalt  }
0x5e: {  	_ =	shalt  }
0x5f: {  	_ =	shalt  }
0x60: {  	_ =	shalt  }
0x61: {  	_ =	shalt  }
0x62: {  	_ =	shalt  }
0x63: {  	_ =	shalt  }
0x64: {  	_ =	shalt  }
0x65: {  	_ =	shalt  }
0x66: {  	_ =	shalt  }
0x67: {  	_ =	shalt  }
0x68: {  	_ =	shalt  }
0x69: {  	_ =	shalt  }
0x6a: {  	_ =	shalt  }
0x6b: {  	_ =	shalt  }
0x6c: {  	_ =	shalt  }
0x6d: {  	_ =	shalt  }
0x6e: {  	_ =	shalt  }
0x6f: {  	_ =	shalt  }
0x70: {  	_ =	shalt  }
0x71: {  	_ =	shalt  }
0x72: {  	_ =	shalt  }
0x73: {  	_ =	shalt  }
0x74: {  	_ =	shalt  }
0x75: {  	_ =	shalt  }
0x76: {  	_ =	shalt  }
0x77: {  	_ =	shalt  }
0x78: {  	_ =	shalt  }
0x79: {  	_ =	shalt  }
0x7a: {  	_ =	shalt  }
0x7b: {  	_ =	shalt  }
0x7c: {  	_ =	shalt  }
0x7d: {  	_ =	shalt  }
0x7e: {  	_ =	shalt  }
0x7f: {  	_ =	shalt  }
0x80: {  	_ =	shalt  }
0x81: {  	_ =	shalt  }
0x82: {  	_ =	shalt  }
0x83: {  	_ =	shalt  }
0x84: {  	_ =	shalt  }
0x85: {  	_ =	shalt  }
0x86: {  	_ =	shalt  }
0x87: {  	_ =	shalt  }
.Lfunc_end0:
.L_simem_size_0:
called_computation_lowered:
.L_overlay_start_0:
0x88: {  	s2 =	sld [smem:$0x3FD9]  }
0x89: {  	s3 =	sld [smem:$0x3FFE];
	_ =	sdelay $0x1  }
0x8a: {  	s1 =	srdreg.scid  }
0x8b: {  	s0 =	sand.u32 $0x1, s1  }
0x8c: {  	s16 =	sshll.u32 s0, $0xA;
	s2 =	sadd.s32 s3, s2  }
0x8d: {  	s2 =	sadd.s32 s2, s16  }
0x8e: {  	[smem:$0x3FC2] =	sst s2  }
0x8f: {  	_ = 	snop  }
0x90: {  	(tm) =	ssettm $0x1  }
0x91: {  	s17 =	sld [smem:$0x3FFB];
	_ =	sdelay $0x3  }
0x92: {  	_ =	strace s17  }
0x93: {  	s2 =	sld [smem:$0x3FFC];
	_ =	sdelay $0x3  }
0x94: {  	_ =	strace s2  }
0x95: {  	s2 =	sld [smem:$0x3FFD];
	_ =	sdelay $0x3  }
0x96: {  	_ =	strace s2  }
0x97: {  	_ =	strace $0x8FFFFFFF  }
0x98: {  	s18 =	sld [smem:$0x3FDB];
	_ =	sdelay $0x1  }
0x99: {  	s19 =	simm.s32 $_scs_section_size  }
0x9a: {  	s4 =	simm.s32 $_size__tile_overlayer_lowered;
	s5 =	simm.s32 $_tile_overlayer_lowered  }
0x9b: {  	s22 =	simm.s32 $0x1BFF;
	s21 =	sshll.u32 s5, $0x1;
	s2 =	sadd.s32 s19, s18  }
0x9c: {  	s6 =	simm.s32 $0x0;
	s20 =	sshll.u32 s4, $0x1;
	s4 =	sadd.s32 s21, s2  }
0x9d: {  	[timem:s6], [sflag:s22] =	dma.local [hbm:s4], s20  }
0x9e: {  	_ =	swait.ge [sflag:s22], s20  }
0x9f: {  	s3 =	ssub.s32 $0x0, s20;
	[sflag:s22] =	ssyncset.done $0x0  }
0xa0: {  	[sflag:s22] =	ssyncadd.s32 s3;
	_ =	sdelay $0x1  }
0xa1: {  	s23 =	simm.s32 $0x1B8B  }
0xa2: {  	_ =	swait.ge [sflag:s23], $0x1  }
0xa3: {  	[sflag:s23] =	ssyncset.done $0x0  }
0xa4: {  	s25 =	simm.s32 $0x1B8E;
	s24 =	sld [smem:$0x3FFE];
	[sflag:s23] =	ssyncadd.s32 $0xFFFFFFFF  }
0xa5: {  	s26 =	simm.s32 $execute0_lowered;
	[smem:$0x3FD2] =	sst s25  }
0xa6: {  	s4 =	sshll.u32 s26, $0x1;
	_ =	strace $0x80000046;
	[dreg:$0x1] =	wrdreg $0xFFFFFFFF  }
0xa7: {  	s28 =	simm.s32 $_size_execute0_lowered;
	s2 =	sadd.s32 s2, s4;
	[dreg:$0x0] =	wrdreg $0x0  }
0xa8: {  	s4 =	sshll.u32 s28, $0x1;
	[dreg:$0x2] =	wrdreg s2  }
0xa9: {  	[dreg:$0x3] =	wrdreg s4  }
0xaa: {  	[dreg:$0x4] =	wrdreg $0xC0  }
0xab: {  	_ =	task [dreg:s6], $0x5FFFF  }
0xac: {  	[dreg:$0x1] =	wrdreg $0xFFFFFFFF  }
0xad: {  	[dreg:$0x0] =	wrdreg $0x60  }
0xae: {  	[dreg:$0x2] =	wrdreg s24  }
0xaf: {  	[dreg:$0x3] =	wrdreg $0x9  }
0xb0: {  	_ =	task.clear_ibuf [dreg:s6], $0x4FFFF;
	_ =	strace $0x90000046  }
0xb1: {  	s29 =	simm.s32 $0x9;
	_ =	strace $0x80000048  }
0xb2: {  	_ =	swait.ge [sflag:s29], $0x1  }
0xb3: {  	[sflag:s29] =	ssyncadd.s32 $0xFFFFFFFF  }
0xb4: {  	_ =	strace $0x90000048  }
0xb5: {  	_ =	sfence  }
0xb6: {  	s30 =	sld [smem:$0x0];
	_ =	sdelay $0x2  }
0xb7: {  	s31 =	sshll.u32 s1, $0xD;
	s1 =	sshrl.u32 s1, $0x2  }
0xb8: {  	s3 =	sand.u32 $0x4000, s31;
	s1 =	sadd.s32 s1, s30  }
0xb9: {  	s0 =	sor.u32 s3, s0;
	s1 =	sshll.u32 s1, $0x11  }
0xba: {  	s0 =	sor.u32 s1, s0  }
0xbb: {  	s0 =	sadd.s32 $0x8F2B, s0  }
0xbc: {  	[sflag:s0] =	ssyncadd.remote.s32 $0x1  }
0xbd: {  	_ =	sfence.sel $0xFFFF  }
0xbe: {  	[dreg:$0x0] =	wrdreg $0xFFFFFFFF;
	(pc) =	sbr.abs _section_cstart, $3  }
0xbf: {  	[dreg:$0x1] =	wrdreg $0xFFFFFFFF  }
0xc0: {  	_ =	task.clear_ibuf [dreg:s6], $0x2FFFF;
	_ =	strace $0x9FFFFFFF  }
0xc1: {  	(tm) =	ssettm $0x7FFFFFFF  }
tec
execute0_lowered:
.L_overlay_start_1:
0x0: {  	(tag) =	ssettag $0x1  }
0x1: {  	s0 =	srdreg.scid;
	s2 =	stileid.u32  }
0x2: {  	s1 =	rddreg [dreg:$0x0];
	s7 =	simm.s32 $0x5;
	s8 =	simm.s32 $0x64  }
0x3: {  	s12 =	simm.s32 $0xD0;
	s13 =	simm.s32 $0x9A00;
	s14 =	simm.s32 $0x138  }
0x4: {  	s15 =	simm.s32 $0xB300;
	s16 =	simm.s32 $0x1A0;
	s17 =	simm.s32 $0xCC00  }
0x5: {  	s18 =	simm.s32 $0x208;
	s19 =	simm.s32 $0xE500;
	s20 =	simm.s32 $0x270  }
0x6: {  	s21 =	simm.s32 $0xFE00;
	s22 =	simm.s32 $0x2D8;
	s23 =	simm.s32 $0x11700  }
0x7: {  	s24 =	simm.s32 $0x1;
	s25 =	simm.s32 $0x2;
	s26 =	simm.s32 $0x3  }
0x8: {  	s28 =	simm.s32 $0x4;
	s29 =	simm.s32 $0x13000;
	s30 =	simm.s32 $0x0  }
0x9: {  	s0 =	sand.u32 $0x1, s0;
	s3 =	sshll.u32 s2, $0x1;
	s2 =	simm.s32 $0x0  }
.Ltmp0:
0xa: {  	s3 =	sor.u32 s0, s3;
	[smem:$0x7FF] =	sst s2;
	(pc) =	sbr.rel .LBB2_1-.Ltmp0, $4  }
0xb: {  	s0 =	ssub.s32 $0x2, s0;
	s4 =	smul.u32 $0xD00, s3;
	_ =	strace $0x80000047  }
0xc: {  	s5 =	sshll.u32 s3, $0xA;
	s3 =	sadd.s32 $0x1AA00, s1;
	s31 =	sshrl.u32 s0, $0x1  }
0xd: {  	s0 =	ssub.s32 s0, s31;
	s4 =	sadd.s32 s4, s1;
	s1 =	sadd.s32 s5, s1  }
0xe: {  	s6 =	smax.u32 s0, $0x1;
	s4 =	sadd.s32 $0xA00, s4;
	s5 =	sadd.s32 $0x7DAA00, s1  }
.LBB2_12:
0xf: {  	s30 =	sadd.s32 $0x1, s30  }
0x10: {  	p0 =	sne.s32 s30, s6  }
.Ltmp1:
0x11: {  	_ = 	snop;
	(pc) =	sbr.rel @!p0 .LBB2_13-.Ltmp1, $4  }
0x12: {  	[hbm4b:s5+s2] =	stream.linear.scatter [tilespmem:s29], [sflag:$0x5], $0x2000, $0x38;
	[tilespmem:$0x15000] =	vst v63  }
0x13: {  	_ =	swait.ge [sflag:s7], $0x2000  }
0x14: {  	[sflag:s7] =	ssyncset.done $0x0  }
0x15: {  	[sflag:s7] =	ssyncadd.s32 $0xFFFFE000  }
.LBB2_1:
0x16: {  	[tilespmem:s2], [sflag:$0x5] =	stream.linear.gather [hbm4b:s4+s2], $0x6800, $0x38;
	[tilespmem:$0x15000] =	vst v63  }
0x17: {  	_ =	swait.ge [sflag:s7], $0x6800  }
0x18: {  	[sflag:s7] =	ssyncset.done $0x0  }
0x19: {  	s0 =	simm.s32 $0x6800;
	[sflag:s7] =	ssyncadd.s32 $0xFFFF9800  }
0x1a: {  	[tilespmem:s0], [sflag:$0x1] =	stream.indirect.gather [hbm4b:s3+s8], $0x40, s2, s8, $0xb8;
	[tilespmem:$0x15000] =	vst v63  }
0x1b: {  	s11 =	simm.s32 $0x68;
	s1 =	simm.s32 $0x8100  }
0x1c: {  	[tilespmem:s1], [sflag:$0x1] =	stream.indirect.gather [hbm4b:s3+s8], $0x40, s11, s8, $0xb8;
	[tilespmem:$0x15000] =	vst v63  }
0x1d: {  	_ = 	snop  }
0x1e: {  	[tilespmem:s13], [sflag:$0x2] =	stream.indirect.gather [hbm4b:s3+s8], $0x40, s12, s8, $0xb8;
	[tilespmem:$0x15000] =	vst v63  }
0x1f: {  	_ = 	snop  }
0x20: {  	[tilespmem:s15], [sflag:$0x2] =	stream.indirect.gather [hbm4b:s3+s8], $0x40, s14, s8, $0xb8;
	[tilespmem:$0x15000] =	vst v63  }
0x21: {  	_ = 	snop  }
0x22: {  	[tilespmem:s17], [sflag:$0x3] =	stream.indirect.gather [hbm4b:s3+s8], $0x40, s16, s8, $0xb8;
	[tilespmem:$0x15000] =	vst v63  }
0x23: {  	_ = 	snop  }
0x24: {  	[tilespmem:s19], [sflag:$0x3] =	stream.indirect.gather [hbm4b:s3+s8], $0x40, s18, s8, $0xb8;
	[tilespmem:$0x15000] =	vst v63  }
0x25: {  	_ = 	snop  }
0x26: {  	[tilespmem:s21], [sflag:$0x4] =	stream.indirect.gather [hbm4b:s3+s8], $0x40, s20, s8, $0xb8;
	[tilespmem:$0x15000] =	vst v63  }
0x27: {  	s31 =	simm.s32 $0x0  }
0x28: {  	[tilespmem:s23], [sflag:$0x4] =	stream.indirect.gather [hbm4b:s3+s8], $0x40, s22, s8, $0xb8;
	[tilespmem:$0x15000] =	vst v63  }
.LBB2_2:
0x29: {  	_ =	swait.ge [sflag:s24], $0x1900  }
0x2a: {  	[sflag:s24] =	ssyncset.done $0x0  }
0x2b: {  	[sflag:s24] =	ssyncadd.s32 $0xFFFFE700  }
0x2c: {  	_ =	swait.ge [sflag:s24], $0x1900  }
0x2d: {  	[sflag:s24] =	ssyncset.done $0x0  }
0x2e: {  	s1 =	simm.s32 $0x6900;
	[sflag:s24] =	ssyncadd.s32 $0xFFFFE700  }
0x2f: {  	v0 =	vld [tilespmem:s1+$0xC0]  }
0x30: {  	v1 =	vld [tilespmem:s1+$0xD0]  }
0x31: {  	v2 =	vld [tilespmem:s1+$0x80]  }
0x32: {  	v3 =	vld [tilespmem:s1+$0x90]  }
0x33: {  	v9 =	vld [tilespmem:s1+$0x40]  }
0x34: {  	v12 =	vld [tilespmem:s1+$0x50]  }
0x35: {  	v5 =	vld [tilespmem:s1+$0x0]  }
0x36: {  	v8 =	vld [tilespmem:s1+$0x10]  }
0x37: {  	v6 =	vld [tilespmem:s1+$0xFFFFFFC0]  }
0x38: {  	v7 =	vld [tilespmem:s1+$0xFFFFFFD0]  }
0x39: {  	v4 =	vld [tilespmem:s1+$0xFFFFFF80]  }
0x3a: {  	v10 =	vld [tilespmem:s1+$0xFFFFFF90]  }
0x3b: {  	v11 =	vld [tilespmem:s1+$0xFFFFFF40]  }
0x3c: {  	v13 =	vld [tilespmem:s1+$0xFFFFFF50]  }
0x3d: {  	v14 =	vld [tilespmem:s1+$0xFFFFFF00]  }
0x3e: {  	v15 =	vld [tilespmem:s1+$0xFFFFFF10]  }
0x3f: {  	v16 =	vld [tilespmem:s1+$0xFFFFFF20]  }
0x40: {  	v17 =	vld [tilespmem:s1+$0xFFFFFF30]  }
0x41: {  	v18 =	vld [tilespmem:s1+$0xFFFFFF60]  }
0x42: {  	v19 =	vld [tilespmem:s1+$0xFFFFFF70]  }
0x43: {  	v20 =	vimm.f32 $0.0e+00;
	v21 =	vld [tilespmem:s1+$0xFFFFFFA0]  }
0x44: {  	v22 =	vld [tilespmem:s1+$0xFFFFFFB0];
	v14 =	vadd.f32 v14, v20;
	v15 =	vadd.f32 v15, v20  }
0x45: {  	v59 =	vld [tilespmem:s1+$0xFFFFFFE0];
	v16 =	vadd.f32 v16, v20;
	v17 =	vadd.f32 v17, v20  }
0x46: {  	v11 =	vadd.f32 v11, v14;
	v13 =	vadd.f32 v13, v15;
	v14 =	vld [tilespmem:s1+$0xFFFFFFF0]  }
0x47: {  	v61 =	vld [tilespmem:s1+$0x20];
	v15 =	vadd.f32 v18, v16;
	v60 =	vadd.f32 v19, v17  }
0x48: {  	v11 =	vadd.f32 v4, v11;
	v10 =	vadd.f32 v10, v13;
	v13 =	vld [tilespmem:s1+$0x30]  }
0x49: {  	v15 =	vadd.f32 v21, v15;
	v16 =	vadd.f32 v22, v60;
	v4 =	vld [tilespmem:s1+$0x60]  }
0x4a: {  	v11 =	vadd.f32 v6, v11;
	v10 =	vadd.f32 v7, v10;
	v7 =	vld [tilespmem:s1+$0x70]  }
0x4b: {  	v15 =	vadd.f32 v59, v15;
	v6 =	vld [tilespmem:s1+$0xA0];
	v14 =	vadd.f32 v14, v16  }
0x4c: {  	v62 =	vadd.f32 v5, v11;
	v63 =	vadd.f32 v8, v10;
	v8 =	vld [tilespmem:s1+$0xB0]  }
0x4d: {  	v11 =	vadd.f32 v61, v15;
	v5 =	vld [tilespmem:s1+$0xE0];
	v10 =	vadd.f32 v13, v14  }
0x4e: {  	s0 =	simm.s32 $0x0;
	v13 =	vadd.f32 v9, v62;
	v12 =	vadd.f32 v12, v63;
	v9 =	vld [tilespmem:s1+$0xF0];
	s1 =	simm.s32 $0x6B00  }
.LBB2_3:
0x4f: {  	v14 =	vld [tilespmem:s1+$0xC0];
	v4 =	vadd.f32 v4, v11;
	v7 =	vadd.f32 v7, v10  }
0x50: {  	v10 =	vld [tilespmem:s1+$0xD0];
	v11 =	vadd.f32 v2, v13;
	v12 =	vadd.f32 v3, v12  }
0x51: {  	v2 =	vld [tilespmem:s1+$0x80];
	v4 =	vadd.f32 v6, v4;
	v6 =	vadd.f32 v8, v7  }
0x52: {  	v3 =	vld [tilespmem:s1+$0x90];
	v7 =	vadd.f32 v0, v11;
	v8 =	vadd.f32 v1, v12  }
0x53: {  	v12 =	vld [tilespmem:s1+$0x40];
	v4 =	vadd.f32 v5, v4;
	v5 =	vadd.f32 v9, v6  }
0x54: {  	v9 =	vld [tilespmem:s1+$0x50];
	v0 =	vmov v14  }
0x55: {  	v11 =	vld [tilespmem:s1+$0x0];
	v1 =	vmov v10  }
0x56: {  	v10 =	vld [tilespmem:s1+$0x10]  }
0x57: {  	v6 =	vld [tilespmem:s1+$0xFFFFFFC0]  }
0x58: {  	v13 =	vld [tilespmem:s1+$0xFFFFFFD0]  }
0x59: {  	v14 =	vld [tilespmem:s1+$0xFFFFFF80]  }
0x5a: {  	v15 =	vld [tilespmem:s1+$0xFFFFFF90]  }
0x5b: {  	v16 =	vld [tilespmem:s1+$0xFFFFFF40]  }
0x5c: {  	v17 =	vld [tilespmem:s1+$0xFFFFFF50]  }
0x5d: {  	v18 =	vld [tilespmem:s1+$0xFFFFFF00]  }
0x5e: {  	v19 =	vld [tilespmem:s1+$0xFFFFFF10]  }
0x5f: {  	v20 =	vld [tilespmem:s1+$0xFFFFFF20]  }
0x60: {  	s0 =	sadd.s32 $0x8, s0;
	v21 =	vld [tilespmem:s1+$0xFFFFFF30]  }
0x61: {  	p0 =	slt.u32 s0, $0xC0;
	v22 =	vld [tilespmem:s1+$0xFFFFFF60]  }
0x62: {  	v23 =	vld [tilespmem:s1+$0xFFFFFF70]  }
0x63: {  	v24 =	vld [tilespmem:s1+$0xFFFFFFA0]  }
0x64: {  	v7 =	vadd.f32 v18, v7;
	v8 =	vadd.f32 v19, v8;
	v18 =	vld [tilespmem:s1+$0xFFFFFFB0]  }
0x65: {  	v4 =	vadd.f32 v20, v4;
	v5 =	vadd.f32 v21, v5;
	v19 =	vld [tilespmem:s1+$0xFFFFFFE0]  }
0x66: {  	v7 =	vadd.f32 v16, v7;
	v8 =	vadd.f32 v17, v8;
	v16 =	vld [tilespmem:s1+$0xFFFFFFF0]  }
0x67: {  	v4 =	vadd.f32 v22, v4;
	v5 =	vadd.f32 v23, v5;
	v17 =	vld [tilespmem:s1+$0x20]  }
0x68: {  	v7 =	vadd.f32 v14, v7;
	v8 =	vadd.f32 v15, v8;
	v14 =	vld [tilespmem:s1+$0x30]  }
0x69: {  	v15 =	vadd.f32 v24, v4;
	v5 =	vadd.f32 v18, v5;
	v4 =	vld [tilespmem:s1+$0x60]  }
.Ltmp2:
0x6a: {  	v18 =	vadd.f32 v6, v7;
	v8 =	vadd.f32 v13, v8;
	v7 =	vld [tilespmem:s1+$0x70];
	(pc) =	sbr.rel @p0 .LBB2_3-.Ltmp2, $4  }
0x6b: {  	v13 =	vadd.f32 v19, v15;
	v5 =	vadd.f32 v16, v5;
	v6 =	vld [tilespmem:s1+$0xA0]  }
0x6c: {  	v15 =	vadd.f32 v11, v18;
	v16 =	vadd.f32 v10, v8;
	v8 =	vld [tilespmem:s1+$0xB0]  }
0x6d: {  	v11 =	vadd.f32 v17, v13;
	v10 =	vadd.f32 v14, v5;
	v5 =	vld [tilespmem:s1+$0xE0]  }
0x6e: {  	v13 =	vadd.f32 v12, v15;
	v12 =	vadd.f32 v9, v16;
	v9 =	vld [tilespmem:s1+$0xF0];
	s1 =	sadd.s32 $0x200, s1  }
0x6f: {  	_ = 	snop  }
0x70: {  	v4 =	vadd.f32 v4, v11;
	v2 =	vadd.f32 v2, v13  }
0x71: {  	v7 =	vadd.f32 v7, v10;
	v3 =	vadd.f32 v3, v12  }
0x72: {  	s0 =	sshll.u32 s31, $0x8;
	v4 =	vadd.f32 v6, v4;
	v0 =	vadd.f32 v0, v2  }
0x73: {  	p0 =	seq.s32 s31, $0x1F;
	s1 =	sand.u32 $0x3FFFFF00, s0;
	v2 =	vadd.f32 v8, v7;
	v1 =	vadd.f32 v1, v3  }
0x74: {  	s0 =	smul.u32 @!p0 $0xD00, s31;
	v3 =	vadd.f32 v5, v4;
	[tilespmem:s1+$0x13000] =	vst v0  }
0x75: {  	v0 =	vadd.f32 v9, v2;
	[tilespmem:s1+$0x13010] =	vst v1  }
0x76: {  	s0 =	sshra.s32 @!p0 s0, $0x2;
	[tilespmem:s1+$0x13020] =	vst v3  }
0x77: {  	s10 =	simm.s32 @!p0 $0x64;
	s11 =	simm.s32 @!p0 $0x6800;
	s9 =	sadd.s32 @!p0 $0x340, s0;
	[tilespmem:s1+$0x13030] =	vst v0  }
0x78: {  	[tilespmem:s11], [sflag:$0x1] =	stream.indirect.gather @!p0 [hbm4b:s3+s10], $0x40, s9, s10, $0xb8;
	[tilespmem:$0x15000] =	vst v63  }
0x79: {  	s9 =	sadd.s32 @!p0 $0x3A8, s0;
	s11 =	simm.s32 @!p0 $0x8100  }
0x7a: {  	[tilespmem:s11], [sflag:$0x1] =	stream.indirect.gather @!p0 [hbm4b:s3+s10], $0x40, s9, s10, $0xb8;
	[tilespmem:$0x15000] =	vst v63  }
0x7b: {  	_ =	swait.ge [sflag:s25], $0x1900  }
0x7c: {  	[sflag:s25] =	ssyncset.done $0x0  }
0x7d: {  	[sflag:s25] =	ssyncadd.s32 $0xFFFFE700  }
0x7e: {  	_ =	swait.ge [sflag:s25], $0x1900  }
0x7f: {  	[sflag:s25] =	ssyncset.done $0x0  }
0x80: {  	s11 =	simm.s32 $0x9BF0;
	[sflag:s25] =	ssyncadd.s32 $0xFFFFE700  }
0x81: {  	v0 =	vld [tilespmem:s11+$0xFFFFFFD0]  }
0x82: {  	v1 =	vld [tilespmem:s11+$0xFFFFFFE0]  }
0x83: {  	v2 =	vld [tilespmem:s11+$0xFFFFFF90]  }
0x84: {  	v3 =	vld [tilespmem:s11+$0xFFFFFFA0]  }
0x85: {  	v9 =	vld [tilespmem:s11+$0xFFFFFF50]  }
0x86: {  	v12 =	vld [tilespmem:s11+$0xFFFFFF60]  }
0x87: {  	v7 =	vld [tilespmem:s11+$0xFFFFFF10]  }
0x88: {  	v8 =	vld [tilespmem:s11+$0xFFFFFF20]  }
0x89: {  	v5 =	vld [tilespmem:s11+$0xFFFFFED0]  }
0x8a: {  	v6 =	vld [tilespmem:s11+$0xFFFFFEE0]  }
0x8b: {  	v4 =	vld [tilespmem:s11+$0xFFFFFE90]  }
0x8c: {  	v10 =	vld [tilespmem:s11+$0xFFFFFEA0]  }
0x8d: {  	v11 =	vld [tilespmem:s11+$0xFFFFFE50]  }
0x8e: {  	v13 =	vld [tilespmem:s11+$0xFFFFFE60]  }
0x8f: {  	v14 =	vld [tilespmem:s11+$0xFFFFFE10]  }
0x90: {  	v15 =	vld [tilespmem:s11+$0xFFFFFE20]  }
0x91: {  	v16 =	vld [tilespmem:s11+$0xFFFFFE30]  }
0x92: {  	v17 =	vld [tilespmem:s11+$0xFFFFFE40]  }
0x93: {  	v18 =	vld [tilespmem:s11+$0xFFFFFE70]  }
0x94: {  	v19 =	vld [tilespmem:s11+$0xFFFFFE80]  }
0x95: {  	v20 =	vimm.f32 $0.0e+00;
	v21 =	vld [tilespmem:s11+$0xFFFFFEB0]  }
0x96: {  	v22 =	vld [tilespmem:s11+$0xFFFFFEC0];
	v14 =	vadd.f32 v14, v20;
	v15 =	vadd.f32 v15, v20  }
0x97: {  	v59 =	vld [tilespmem:s11+$0xFFFFFEF0];
	v16 =	vadd.f32 v16, v20;
	v17 =	vadd.f32 v17, v20  }
0x98: {  	v11 =	vadd.f32 v11, v14;
	v13 =	vadd.f32 v13, v15;
	v14 =	vld [tilespmem:s11+$0xFFFFFF00]  }
0x99: {  	v61 =	vld [tilespmem:s11+$0xFFFFFF30];
	v15 =	vadd.f32 v18, v16;
	v60 =	vadd.f32 v19, v17  }
0x9a: {  	v11 =	vadd.f32 v4, v11;
	v10 =	vadd.f32 v10, v13;
	v13 =	vld [tilespmem:s11+$0xFFFFFF40]  }
0x9b: {  	v15 =	vadd.f32 v21, v15;
	v16 =	vadd.f32 v22, v60;
	v4 =	vld [tilespmem:s11+$0xFFFFFF70]  }
0x9c: {  	v11 =	vadd.f32 v5, v11;
	v10 =	vadd.f32 v6, v10;
	v6 =	vld [tilespmem:s11+$0xFFFFFF80]  }
0x9d: {  	v15 =	vadd.f32 v59, v15;
	v5 =	vld [tilespmem:s11+$0xFFFFFFB0];
	v14 =	vadd.f32 v14, v16  }
0x9e: {  	v62 =	vadd.f32 v7, v11;
	v63 =	vadd.f32 v8, v10;
	v8 =	vld [tilespmem:s11+$0xFFFFFFC0]  }
0x9f: {  	v11 =	vadd.f32 v61, v15;
	v7 =	vld [tilespmem:s11+$0xFFFFFFF0];
	v10 =	vadd.f32 v13, v14  }
0xa0: {  	s9 =	simm.s32 $0x0;
	s10 =	simm.s32 $0x9DF0;
	v13 =	vadd.f32 v9, v62;
	v12 =	vadd.f32 v12, v63;
	v9 =	vld [tilespmem:s11+$0x0]  }
.LBB2_5:
0xa1: {  	v14 =	vld [tilespmem:s10+$0xFFFFFFD0];
	v4 =	vadd.f32 v4, v11;
	v6 =	vadd.f32 v6, v10  }
0xa2: {  	v10 =	vld [tilespmem:s10+$0xFFFFFFE0];
	v11 =	vadd.f32 v2, v13;
	v12 =	vadd.f32 v3, v12  }
0xa3: {  	v2 =	vld [tilespmem:s10+$0xFFFFFF90];
	v4 =	vadd.f32 v5, v4;
	v5 =	vadd.f32 v8, v6  }
0xa4: {  	v3 =	vld [tilespmem:s10+$0xFFFFFFA0];
	v6 =	vadd.f32 v0, v11;
	v8 =	vadd.f32 v1, v12  }
0xa5: {  	v12 =	vld [tilespmem:s10+$0xFFFFFF50];
	v4 =	vadd.f32 v7, v4;
	v5 =	vadd.f32 v9, v5  }
0xa6: {  	v9 =	vld [tilespmem:s10+$0xFFFFFF60];
	v0 =	vmov v14  }
0xa7: {  	v7 =	vld [tilespmem:s10+$0xFFFFFF10];
	v1 =	vmov v10  }
0xa8: {  	v10 =	vld [tilespmem:s10+$0xFFFFFF20]  }
0xa9: {  	v11 =	vld [tilespmem:s10+$0xFFFFFED0]  }
0xaa: {  	v13 =	vld [tilespmem:s10+$0xFFFFFEE0]  }
0xab: {  	v14 =	vld [tilespmem:s10+$0xFFFFFE90]  }
0xac: {  	v15 =	vld [tilespmem:s10+$0xFFFFFEA0]  }
0xad: {  	v16 =	vld [tilespmem:s10+$0xFFFFFE50]  }
0xae: {  	v17 =	vld [tilespmem:s10+$0xFFFFFE60]  }
0xaf: {  	v18 =	vld [tilespmem:s10+$0xFFFFFE10]  }
0xb0: {  	v19 =	vld [tilespmem:s10+$0xFFFFFE20]  }
0xb1: {  	v20 =	vld [tilespmem:s10+$0xFFFFFE30]  }
0xb2: {  	s9 =	sadd.s32 $0x8, s9;
	v21 =	vld [tilespmem:s10+$0xFFFFFE40]  }
0xb3: {  	p1 =	slt.u32 s9, $0xC0;
	v22 =	vld [tilespmem:s10+$0xFFFFFE70]  }
0xb4: {  	v23 =	vld [tilespmem:s10+$0xFFFFFE80]  }
0xb5: {  	v24 =	vld [tilespmem:s10+$0xFFFFFEB0]  }
0xb6: {  	v6 =	vadd.f32 v18, v6;
	v8 =	vadd.f32 v19, v8;
	v18 =	vld [tilespmem:s10+$0xFFFFFEC0]  }
0xb7: {  	v4 =	vadd.f32 v20, v4;
	v5 =	vadd.f32 v21, v5;
	v19 =	vld [tilespmem:s10+$0xFFFFFEF0]  }
0xb8: {  	v6 =	vadd.f32 v16, v6;
	v8 =	vadd.f32 v17, v8;
	v16 =	vld [tilespmem:s10+$0xFFFFFF00]  }
0xb9: {  	v4 =	vadd.f32 v22, v4;
	v5 =	vadd.f32 v23, v5;
	v17 =	vld [tilespmem:s10+$0xFFFFFF30]  }
0xba: {  	v6 =	vadd.f32 v14, v6;
	v8 =	vadd.f32 v15, v8;
	v14 =	vld [tilespmem:s10+$0xFFFFFF40]  }
0xbb: {  	v15 =	vadd.f32 v24, v4;
	v5 =	vadd.f32 v18, v5;
	v4 =	vld [tilespmem:s10+$0xFFFFFF70]  }
.Ltmp3:
0xbc: {  	v11 =	vadd.f32 v11, v6;
	v8 =	vadd.f32 v13, v8;
	v6 =	vld [tilespmem:s10+$0xFFFFFF80];
	(pc) =	sbr.rel @p1 .LBB2_5-.Ltmp3, $4  }
0xbd: {  	v13 =	vadd.f32 v19, v15;
	v15 =	vadd.f32 v16, v5;
	v5 =	vld [tilespmem:s10+$0xFFFFFFB0]  }
0xbe: {  	v16 =	vadd.f32 v7, v11;
	v18 =	vadd.f32 v10, v8;
	v8 =	vld [tilespmem:s10+$0xFFFFFFC0]  }
0xbf: {  	v11 =	vadd.f32 v17, v13;
	v10 =	vadd.f32 v14, v15;
	v7 =	vld [tilespmem:s10+$0xFFFFFFF0]  }
0xc0: {  	v13 =	vadd.f32 v12, v16;
	v12 =	vadd.f32 v9, v18;
	v9 =	vld [tilespmem:s10+$0x0];
	s10 =	sadd.s32 $0x200, s10  }
0xc1: {  	_ = 	snop  }
0xc2: {  	v4 =	vadd.f32 v4, v11;
	v2 =	vadd.f32 v2, v13  }
0xc3: {  	v6 =	vadd.f32 v6, v10;
	v3 =	vadd.f32 v3, v12  }
0xc4: {  	v4 =	vadd.f32 v5, v4;
	v0 =	vadd.f32 v0, v2  }
0xc5: {  	v2 =	vadd.f32 v8, v6;
	v1 =	vadd.f32 v1, v3  }
0xc6: {  	v3 =	vadd.f32 v7, v4;
	[tilespmem:s1+$0x13040] =	vst v0  }
0xc7: {  	v0 =	vadd.f32 v9, v2;
	[tilespmem:s1+$0x13050] =	vst v1  }
0xc8: {  	[tilespmem:s1+$0x13060] =	vst v3  }
0xc9: {  	s9 =	sadd.s32 @!p0 $0x410, s0;
	s10 =	simm.s32 @!p0 $0x64;
	s11 =	simm.s32 @!p0 $0x9A00;
	[tilespmem:s1+$0x13070] =	vst v0  }
0xca: {  	[tilespmem:s11], [sflag:$0x2] =	stream.indirect.gather @!p0 [hbm4b:s3+s10], $0x40, s9, s10, $0xb8;
	[tilespmem:$0x15000] =	vst v63  }
0xcb: {  	s9 =	sadd.s32 @!p0 $0x478, s0;
	s11 =	simm.s32 @!p0 $0xB300  }
0xcc: {  	[tilespmem:s11], [sflag:$0x2] =	stream.indirect.gather @!p0 [hbm4b:s3+s10], $0x40, s9, s10, $0xb8;
	[tilespmem:$0x15000] =	vst v63  }
0xcd: {  	_ =	swait.ge [sflag:s26], $0x1900  }
0xce: {  	[sflag:s26] =	ssyncset.done $0x0  }
0xcf: {  	[sflag:s26] =	ssyncadd.s32 $0xFFFFE700  }
0xd0: {  	_ =	swait.ge [sflag:s26], $0x1900  }
0xd1: {  	[sflag:s26] =	ssyncset.done $0x0  }
0xd2: {  	s11 =	simm.s32 $0xCC00;
	[sflag:s26] =	ssyncadd.s32 $0xFFFFE700  }
0xd3: {  	v0 =	vld [tilespmem:s11+$0x1C0]  }
0xd4: {  	v1 =	vld [tilespmem:s11+$0x1D0]  }
0xd5: {  	v2 =	vld [tilespmem:s11+$0x180]  }
0xd6: {  	v3 =	vld [tilespmem:s11+$0x190]  }
0xd7: {  	v9 =	vld [tilespmem:s11+$0x140]  }
0xd8: {  	v12 =	vld [tilespmem:s11+$0x150]  }
0xd9: {  	v7 =	vld [tilespmem:s11+$0x100]  }
0xda: {  	v8 =	vld [tilespmem:s11+$0x110]  }
0xdb: {  	v5 =	vld [tilespmem:s11+$0xC0]  }
0xdc: {  	v6 =	vld [tilespmem:s11+$0xD0]  }
0xdd: {  	v4 =	vld [tilespmem:s11+$0x80]  }
0xde: {  	v10 =	vld [tilespmem:s11+$0x90]  }
0xdf: {  	v11 =	vld [tilespmem:s11+$0x40]  }
0xe0: {  	v13 =	vld [tilespmem:s11+$0x50]  }
0xe1: {  	v14 =	vld [tilespmem:s11+$0x0]  }
0xe2: {  	v15 =	vld [tilespmem:s11+$0x10]  }
0xe3: {  	v16 =	vld [tilespmem:s11+$0x20]  }
0xe4: {  	v17 =	vld [tilespmem:s11+$0x30]  }
0xe5: {  	v18 =	vld [tilespmem:s11+$0x60]  }
0xe6: {  	v19 =	vld [tilespmem:s11+$0x70]  }
0xe7: {  	v20 =	vimm.f32 $0.0e+00;
	v21 =	vld [tilespmem:s11+$0xA0]  }
0xe8: {  	v22 =	vld [tilespmem:s11+$0xB0];
	v14 =	vadd.f32 v14, v20;
	v15 =	vadd.f32 v15, v20  }
0xe9: {  	v59 =	vld [tilespmem:s11+$0xE0];
	v16 =	vadd.f32 v16, v20;
	v17 =	vadd.f32 v17, v20  }
0xea: {  	v11 =	vadd.f32 v11, v14;
	v13 =	vadd.f32 v13, v15;
	v14 =	vld [tilespmem:s11+$0xF0]  }
0xeb: {  	v61 =	vld [tilespmem:s11+$0x120];
	v15 =	vadd.f32 v18, v16;
	v60 =	vadd.f32 v19, v17  }
0xec: {  	v11 =	vadd.f32 v4, v11;
	v10 =	vadd.f32 v10, v13;
	v13 =	vld [tilespmem:s11+$0x130]  }
0xed: {  	v15 =	vadd.f32 v21, v15;
	v16 =	vadd.f32 v22, v60;
	v4 =	vld [tilespmem:s11+$0x160]  }
0xee: {  	v11 =	vadd.f32 v5, v11;
	v10 =	vadd.f32 v6, v10;
	v6 =	vld [tilespmem:s11+$0x170]  }
0xef: {  	v15 =	vadd.f32 v59, v15;
	v5 =	vld [tilespmem:s11+$0x1A0];
	v14 =	vadd.f32 v14, v16  }
0xf0: {  	v62 =	vadd.f32 v7, v11;
	v63 =	vadd.f32 v8, v10;
	v8 =	vld [tilespmem:s11+$0x1B0]  }
0xf1: {  	v11 =	vadd.f32 v61, v15;
	v7 =	vld [tilespmem:s11+$0x1E0];
	v10 =	vadd.f32 v13, v14  }
0xf2: {  	s9 =	simm.s32 $0x0;
	s10 =	simm.s32 $0xCE00;
	v13 =	vadd.f32 v9, v62;
	v12 =	vadd.f32 v12, v63;
	v9 =	vld [tilespmem:s11+$0x1F0]  }
.LBB2_7:
0xf3: {  	v14 =	vld [tilespmem:s10+$0x1C0];
	v4 =	vadd.f32 v4, v11;
	v6 =	vadd.f32 v6, v10  }
0xf4: {  	v10 =	vld [tilespmem:s10+$0x1D0];
	v11 =	vadd.f32 v2, v13;
	v12 =	vadd.f32 v3, v12  }
0xf5: {  	v2 =	vld [tilespmem:s10+$0x180];
	v4 =	vadd.f32 v5, v4;
	v5 =	vadd.f32 v8, v6  }
0xf6: {  	v3 =	vld [tilespmem:s10+$0x190];
	v6 =	vadd.f32 v0, v11;
	v8 =	vadd.f32 v1, v12  }
0xf7: {  	v12 =	vld [tilespmem:s10+$0x140];
	v4 =	vadd.f32 v7, v4;
	v5 =	vadd.f32 v9, v5  }
0xf8: {  	v9 =	vld [tilespmem:s10+$0x150];
	v0 =	vmov v14  }
0xf9: {  	v7 =	vld [tilespmem:s10+$0x100];
	v1 =	vmov v10  }
0xfa: {  	v10 =	vld [tilespmem:s10+$0x110]  }
0xfb: {  	v11 =	vld [tilespmem:s10+$0xC0]  }
0xfc: {  	v13 =	vld [tilespmem:s10+$0xD0]  }
0xfd: {  	v14 =	vld [tilespmem:s10+$0x80]  }
0xfe: {  	v15 =	vld [tilespmem:s10+$0x90]  }
0xff: {  	v16 =	vld [tilespmem:s10+$0x40]  }
0x100: {  	v17 =	vld [tilespmem:s10+$0x50]  }
0x101: {  	v18 =	vld [tilespmem:s10+$0x0]  }
0x102: {  	v19 =	vld [tilespmem:s10+$0x10]  }
0x103: {  	v20 =	vld [tilespmem:s10+$0x20]  }
0x104: {  	s9 =	sadd.s32 $0x8, s9;
	v21 =	vld [tilespmem:s10+$0x30]  }
0x105: {  	p1 =	slt.u32 s9, $0xC0;
	v22 =	vld [tilespmem:s10+$0x60]  }
0x106: {  	v23 =	vld [tilespmem:s10+$0x70]  }
0x107: {  	v24 =	vld [tilespmem:s10+$0xA0]  }
0x108: {  	v6 =	vadd.f32 v18, v6;
	v8 =	vadd.f32 v19, v8;
	v18 =	vld [tilespmem:s10+$0xB0]  }
0x109: {  	v4 =	vadd.f32 v20, v4;
	v5 =	vadd.f32 v21, v5;
	v19 =	vld [tilespmem:s10+$0xE0]  }
0x10a: {  	v6 =	vadd.f32 v16, v6;
	v8 =	vadd.f32 v17, v8;
	v16 =	vld [tilespmem:s10+$0xF0]  }
0x10b: {  	v4 =	vadd.f32 v22, v4;
	v5 =	vadd.f32 v23, v5;
	v17 =	vld [tilespmem:s10+$0x120]  }
0x10c: {  	v6 =	vadd.f32 v14, v6;
	v8 =	vadd.f32 v15, v8;
	v14 =	vld [tilespmem:s10+$0x130]  }
0x10d: {  	v15 =	vadd.f32 v24, v4;
	v5 =	vadd.f32 v18, v5;
	v4 =	vld [tilespmem:s10+$0x160]  }
.Ltmp4:
0x10e: {  	v11 =	vadd.f32 v11, v6;
	v8 =	vadd.f32 v13, v8;
	v6 =	vld [tilespmem:s10+$0x170];
	(pc) =	sbr.rel @p1 .LBB2_7-.Ltmp4, $4  }
0x10f: {  	v13 =	vadd.f32 v19, v15;
	v15 =	vadd.f32 v16, v5;
	v5 =	vld [tilespmem:s10+$0x1A0]  }
0x110: {  	v16 =	vadd.f32 v7, v11;
	v18 =	vadd.f32 v10, v8;
	v8 =	vld [tilespmem:s10+$0x1B0]  }
0x111: {  	v11 =	vadd.f32 v17, v13;
	v10 =	vadd.f32 v14, v15;
	v7 =	vld [tilespmem:s10+$0x1E0]  }
0x112: {  	v13 =	vadd.f32 v12, v16;
	v12 =	vadd.f32 v9, v18;
	v9 =	vld [tilespmem:s10+$0x1F0];
	s10 =	sadd.s32 $0x200, s10  }
0x113: {  	_ = 	snop  }
0x114: {  	v4 =	vadd.f32 v4, v11;
	v2 =	vadd.f32 v2, v13  }
0x115: {  	v6 =	vadd.f32 v6, v10;
	v3 =	vadd.f32 v3, v12  }
0x116: {  	v4 =	vadd.f32 v5, v4;
	v0 =	vadd.f32 v0, v2  }
0x117: {  	v2 =	vadd.f32 v8, v6;
	v1 =	vadd.f32 v1, v3  }
0x118: {  	v3 =	vadd.f32 v7, v4;
	[tilespmem:s1+$0x13080] =	vst v0  }
0x119: {  	v0 =	vadd.f32 v9, v2;
	[tilespmem:s1+$0x13090] =	vst v1  }
0x11a: {  	[tilespmem:s1+$0x130A0] =	vst v3  }
0x11b: {  	s9 =	sadd.s32 @!p0 $0x4E0, s0;
	s10 =	simm.s32 @!p0 $0x64;
	s11 =	simm.s32 @!p0 $0xCC00;
	[tilespmem:s1+$0x130B0] =	vst v0  }
0x11c: {  	[tilespmem:s11], [sflag:$0x3] =	stream.indirect.gather @!p0 [hbm4b:s3+s10], $0x40, s9, s10, $0xb8;
	[tilespmem:$0x15000] =	vst v63  }
0x11d: {  	s0 =	sadd.s32 @!p0 $0x548, s0;
	s9 =	simm.s32 @!p0 $0xE500  }
0x11e: {  	[tilespmem:s9], [sflag:$0x3] =	stream.indirect.gather @!p0 [hbm4b:s3+s10], $0x40, s0, s10, $0xb8;
	[tilespmem:$0x15000] =	vst v63  }
0x11f: {  	_ =	swait.ge [sflag:s28], $0x1900  }
0x120: {  	[sflag:s28] =	ssyncset.done $0x0  }
0x121: {  	[sflag:s28] =	ssyncadd.s32 $0xFFFFE700  }
0x122: {  	_ =	swait.ge [sflag:s28], $0x1900  }
0x123: {  	[sflag:s28] =	ssyncset.done $0x0  }
0x124: {  	s11 =	simm.s32 $0xFE00;
	[sflag:s28] =	ssyncadd.s32 $0xFFFFE700  }
0x125: {  	v0 =	vld [tilespmem:s11+$0x1C0]  }
0x126: {  	v1 =	vld [tilespmem:s11+$0x1D0]  }
0x127: {  	v2 =	vld [tilespmem:s11+$0x180]  }
0x128: {  	v3 =	vld [tilespmem:s11+$0x190]  }
0x129: {  	v9 =	vld [tilespmem:s11+$0x140]  }
0x12a: {  	v12 =	vld [tilespmem:s11+$0x150]  }
0x12b: {  	v7 =	vld [tilespmem:s11+$0x100]  }
0x12c: {  	v8 =	vld [tilespmem:s11+$0x110]  }
0x12d: {  	v5 =	vld [tilespmem:s11+$0xC0]  }
0x12e: {  	v6 =	vld [tilespmem:s11+$0xD0]  }
0x12f: {  	v4 =	vld [tilespmem:s11+$0x80]  }
0x130: {  	v10 =	vld [tilespmem:s11+$0x90]  }
0x131: {  	v11 =	vld [tilespmem:s11+$0x40]  }
0x132: {  	v13 =	vld [tilespmem:s11+$0x50]  }
0x133: {  	v14 =	vld [tilespmem:s11+$0x0]  }
0x134: {  	v15 =	vld [tilespmem:s11+$0x10]  }
0x135: {  	v16 =	vld [tilespmem:s11+$0x20]  }
0x136: {  	v17 =	vld [tilespmem:s11+$0x30]  }
0x137: {  	v18 =	vld [tilespmem:s11+$0x60]  }
0x138: {  	v19 =	vld [tilespmem:s11+$0x70]  }
0x139: {  	v20 =	vimm.f32 $0.0e+00;
	v21 =	vld [tilespmem:s11+$0xA0]  }
0x13a: {  	v22 =	vld [tilespmem:s11+$0xB0];
	v14 =	vadd.f32 v14, v20;
	v15 =	vadd.f32 v15, v20  }
0x13b: {  	v59 =	vld [tilespmem:s11+$0xE0];
	v16 =	vadd.f32 v16, v20;
	v17 =	vadd.f32 v17, v20  }
0x13c: {  	v11 =	vadd.f32 v11, v14;
	v13 =	vadd.f32 v13, v15;
	v14 =	vld [tilespmem:s11+$0xF0]  }
0x13d: {  	v61 =	vld [tilespmem:s11+$0x120];
	v15 =	vadd.f32 v18, v16;
	v60 =	vadd.f32 v19, v17  }
0x13e: {  	v11 =	vadd.f32 v4, v11;
	v10 =	vadd.f32 v10, v13;
	v13 =	vld [tilespmem:s11+$0x130]  }
0x13f: {  	v15 =	vadd.f32 v21, v15;
	v16 =	vadd.f32 v22, v60;
	v4 =	vld [tilespmem:s11+$0x160]  }
0x140: {  	v11 =	vadd.f32 v5, v11;
	v10 =	vadd.f32 v6, v10;
	v6 =	vld [tilespmem:s11+$0x170]  }
0x141: {  	v15 =	vadd.f32 v59, v15;
	v5 =	vld [tilespmem:s11+$0x1A0];
	v14 =	vadd.f32 v14, v16  }
0x142: {  	v62 =	vadd.f32 v7, v11;
	v63 =	vadd.f32 v8, v10;
	v8 =	vld [tilespmem:s11+$0x1B0]  }
0x143: {  	v11 =	vadd.f32 v61, v15;
	v7 =	vld [tilespmem:s11+$0x1E0];
	v10 =	vadd.f32 v13, v14  }
0x144: {  	s0 =	simm.s32 $0x0;
	s9 =	simm.s32 $0x10000;
	v13 =	vadd.f32 v9, v62;
	v12 =	vadd.f32 v12, v63;
	v9 =	vld [tilespmem:s11+$0x1F0]  }
.LBB2_9:
0x145: {  	v14 =	vld [tilespmem:s9+$0x1C0];
	v4 =	vadd.f32 v4, v11;
	v6 =	vadd.f32 v6, v10  }
0x146: {  	v10 =	vld [tilespmem:s9+$0x1D0];
	v11 =	vadd.f32 v2, v13;
	v12 =	vadd.f32 v3, v12  }
0x147: {  	v2 =	vld [tilespmem:s9+$0x180];
	v4 =	vadd.f32 v5, v4;
	v5 =	vadd.f32 v8, v6  }
0x148: {  	v3 =	vld [tilespmem:s9+$0x190];
	v6 =	vadd.f32 v0, v11;
	v8 =	vadd.f32 v1, v12  }
0x149: {  	v12 =	vld [tilespmem:s9+$0x140];
	v4 =	vadd.f32 v7, v4;
	v5 =	vadd.f32 v9, v5  }
0x14a: {  	v9 =	vld [tilespmem:s9+$0x150];
	v0 =	vmov v14  }
0x14b: {  	v7 =	vld [tilespmem:s9+$0x100];
	v1 =	vmov v10  }
0x14c: {  	v10 =	vld [tilespmem:s9+$0x110]  }
0x14d: {  	v11 =	vld [tilespmem:s9+$0xC0]  }
0x14e: {  	v13 =	vld [tilespmem:s9+$0xD0]  }
0x14f: {  	v14 =	vld [tilespmem:s9+$0x80]  }
0x150: {  	v15 =	vld [tilespmem:s9+$0x90]  }
0x151: {  	v16 =	vld [tilespmem:s9+$0x40]  }
0x152: {  	v17 =	vld [tilespmem:s9+$0x50]  }
0x153: {  	v18 =	vld [tilespmem:s9+$0x0]  }
0x154: {  	v19 =	vld [tilespmem:s9+$0x10]  }
0x155: {  	v20 =	vld [tilespmem:s9+$0x20]  }
0x156: {  	s0 =	sadd.s32 $0x8, s0;
	v21 =	vld [tilespmem:s9+$0x30]  }
0x157: {  	p1 =	slt.u32 s0, $0xC0;
	v22 =	vld [tilespmem:s9+$0x60]  }
0x158: {  	v23 =	vld [tilespmem:s9+$0x70]  }
0x159: {  	v24 =	vld [tilespmem:s9+$0xA0]  }
0x15a: {  	v6 =	vadd.f32 v18, v6;
	v8 =	vadd.f32 v19, v8;
	v18 =	vld [tilespmem:s9+$0xB0]  }
0x15b: {  	v4 =	vadd.f32 v20, v4;
	v5 =	vadd.f32 v21, v5;
	v19 =	vld [tilespmem:s9+$0xE0]  }
0x15c: {  	v6 =	vadd.f32 v16, v6;
	v8 =	vadd.f32 v17, v8;
	v16 =	vld [tilespmem:s9+$0xF0]  }
0x15d: {  	v4 =	vadd.f32 v22, v4;
	v5 =	vadd.f32 v23, v5;
	v17 =	vld [tilespmem:s9+$0x120]  }
0x15e: {  	v6 =	vadd.f32 v14, v6;
	v8 =	vadd.f32 v15, v8;
	v14 =	vld [tilespmem:s9+$0x130]  }
0x15f: {  	v15 =	vadd.f32 v24, v4;
	v5 =	vadd.f32 v18, v5;
	v4 =	vld [tilespmem:s9+$0x160]  }
.Ltmp5:
0x160: {  	v11 =	vadd.f32 v11, v6;
	v8 =	vadd.f32 v13, v8;
	v6 =	vld [tilespmem:s9+$0x170];
	(pc) =	sbr.rel @p1 .LBB2_9-.Ltmp5, $4  }
0x161: {  	v13 =	vadd.f32 v19, v15;
	v15 =	vadd.f32 v16, v5;
	v5 =	vld [tilespmem:s9+$0x1A0]  }
0x162: {  	v16 =	vadd.f32 v7, v11;
	v18 =	vadd.f32 v10, v8;
	v8 =	vld [tilespmem:s9+$0x1B0]  }
0x163: {  	v11 =	vadd.f32 v17, v13;
	v10 =	vadd.f32 v14, v15;
	v7 =	vld [tilespmem:s9+$0x1E0]  }
0x164: {  	v13 =	vadd.f32 v12, v16;
	v12 =	vadd.f32 v9, v18;
	v9 =	vld [tilespmem:s9+$0x1F0];
	s9 =	sadd.s32 $0x200, s9  }
0x165: {  	_ = 	snop  }
0x166: {  	v4 =	vadd.f32 v4, v11;
	v2 =	vadd.f32 v2, v13  }
0x167: {  	v6 =	vadd.f32 v6, v10;
	v3 =	vadd.f32 v3, v12  }
0x168: {  	v4 =	vadd.f32 v5, v4;
	v0 =	vadd.f32 v0, v2  }
.Ltmp6:
0x169: {  	v61 =	vadd.f32 v8, v6;
	v1 =	vadd.f32 v1, v3;
	(pc) =	sbr.rel @p0 .LBB2_12-.Ltmp6, $4  }
0x16a: {  	v62 =	vadd.f32 v7, v4;
	[tilespmem:s1+$0x130C0] =	vst v0  }
0x16b: {  	v63 =	vadd.f32 v9, v61;
	[tilespmem:s1+$0x130D0] =	vst v1  }
0x16c: {  	[tilespmem:s1+$0x130E0] =	vst v62  }
0x16d: {  	[tilespmem:s1+$0x130F0] =	vst v63  }
0x16e: {  	s0 =	smul.u32 $0xD00, s31;
	_ =	sdelay $0x1  }
.Ltmp7:
0x16f: {  	s0 =	sshra.s32 s0, $0x2;
	(pc) =	sbr.rel .LBB2_2-.Ltmp7, $4  }
0x170: {  	s1 =	sadd.s32 $0x5B0, s0  }
0x171: {  	[tilespmem:s21], [sflag:$0x4] =	stream.indirect.gather [hbm4b:s3+s8], $0x40, s1, s8, $0xb8;
	[tilespmem:$0x15000] =	vst v63  }
0x172: {  	s31 =	sadd.s32 $0x1, s31;
	s0 =	sadd.s32 $0x618, s0  }
0x173: {  	[tilespmem:s23], [sflag:$0x4] =	stream.indirect.gather [hbm4b:s3+s8], $0x40, s0, s8, $0xb8;
	[tilespmem:$0x15000] =	vst v63  }
.LBB2_13:
0x174: {  	_ =	sfence.sel $0x180000  }
0x175: {  	[bflag:$0x0] =	sbarrier.arrive $0xFFFF  }
0x176: {  	_ =	strace $0x90000047  }
0x177: {  	s0 =	stileid.u32;
	[bflag:$0x2] =	sbarrier.arrive $0xFFFF  }
0x178: {  	p0 =	sne.s32 s0, $0x0;
	s0 =	rddreg [dreg:$0x1]  }
0x179: {  	s0 =	sadd.s32 @!p0 $0x100000, s0  }
0x17a: {  	[sflag:s0] =	ssyncadd.tile.s32 @!p0 $0x1;
	_ =	shalt  }
.Lfunc_end2:
_tile_overlayer_lowered:
.L_overlay_start_2:
0x17b: {  	(tag) =	ssettag $0x2  }
0x17c: {  	s0 =	rddreg [dreg:$0x0];
	s2 =	stileid.u32  }
0x17d: {  	s1 =	rddreg [dreg:$0x1];
	p0 =	sne.s32 s2, $0x0  }
0x17e: {  	s3 =	rddreg [dreg:$0x2];
	[bflag:$0x3] =	sbarrier.arrive $0xFFFF;
	s2 =	simm.s32 @!p0 $0x1C05  }
0x17f: {  	[timem:s3], [sflag:s2] =	dma.local @!p0 [hbm:s0], s1  }
0x180: {  	s0 =	simm.s32 @!p0 $0x5  }
0x181: {  	_ =	swait.ge @!p0 [sflag:s0], s1  }
0x182: {  	s1 =	ssub.s32 @!p0 $0x0, s1;
	[sflag:s0] =	ssyncset.done @!p0 $0x0  }
0x183: {  	[sflag:s0] =	ssyncadd.s32 @!p0 s1  }
0x184: {  	[bflag:$0x3] =	sbarrier.arrive $0xFFFF  }
0x185: {  	_ =	shalt  }

</sc_bundles>
